<compile_context>
chip_gen: v7x
topology: tpu7x:2x2x1
jax: 0.10.2.dev20260603
libtpu: 0.0.44.dev20260713+nightly
codegen_flags: <defaults>
</compile_context>

<pallas_src>
import functools

import jax
import jax.numpy as jnp
from jax import lax
from jax.experimental import pallas as pl
from jax.experimental.pallas import tpu as pltpu
from jax.experimental.pallas import tpu_sc as plsc

B = 16384
T = 12
D = 24
V = 28
NC = 2
NS = 16
NW = NC * NS
RPW = (B * T) // NW
NV = RPW // 16
CHUNK = 2048
NCHUNK = RPW // CHUNK


def _tpat():
    lane = lax.iota(jnp.int32, 16)
    t0 = jnp.where(lane >= 12, lane - 12, lane)
    t1 = jnp.where(lane >= 8, lane - 8, lane + 4)
    t2 = jnp.where(lane >= 4, lane - 4, lane + 8)
    return t0, t1, t2


def _dpat():
    lane = lax.iota(jnp.int32, 16)
    d0 = lane
    d1 = jnp.where(lane < 8, lane + 16, lane - 8)
    d2 = lane + 8
    return d0, d1, d2


def _body(
    x_hbm, w_hbm, p_hbm, out_hbm, x_v, w_v, p_v, c_v, idx_v, g_v, c_sh,
    sem0, sem1, semx
):
    cid = lax.axis_index("c")
    sid = lax.axis_index("s")
    wid = sid * NC + cid
    xbase = wid * RPW

    xcopy = pltpu.async_copy(x_hbm.at[pl.ds(xbase, RPW)], x_v, semx)

    pltpu.sync_copy(w_hbm, w_v)
    pltpu.sync_copy(p_hbm, p_v)
    lane = lax.iota(jnp.int32, 16)
    dpat = _dpat()
    tadd = (lane * 0, (lane >= 8).astype(jnp.int32), lane * 0 + 1)

    for half in range(2):
        w = sid + NS * half

        @pl.when(w < V)
        def _build(w=w):
            for j in range(T * D // 16):
                m, r = divmod(j, 3)
                pv = p_v[pl.ds(16 * j, 16)]
                wv = plsc.load_gather(w_v, [w * D + dpat[r]])
                plsc.store_scatter(
                    c_v, [w * T + 2 * m + tadd[r], dpat[r]], wv + pv
                )
            pltpu.sync_copy(
                c_v.at[pl.ds(w * T, T)], c_sh.at[pl.ds(w * T, T)]
            )

    xcopy.wait()
    tpat = _tpat()

    def mkidx(i, carry):
        tt = carry
        for r in range(3):
            xv = x_v[pl.ds((3 * i + r) * 16, 16)]
            idx_v[pl.ds((3 * i + r) * 16, 16)] = xv * T + tt[r]
        return carry

    lax.fori_loop(0, NV // 3, mkidx, tpat)

    plsc.subcore_barrier()

    ocopies = [None, None]
    for k in range(NCHUNK):
        buf = k % 2
        if ocopies[buf] is not None:
            ocopies[buf].wait()
        pltpu.async_copy(
            c_sh.at[idx_v.at[pl.ds(k * CHUNK, CHUNK)]],
            g_v.at[buf],
            sem0,
        ).wait()
        ocopies[buf] = pltpu.async_copy(
            g_v.at[buf],
            out_hbm.at[pl.ds(xbase + k * CHUNK, CHUNK)],
            sem1,
        )
    ocopies[0].wait()
    ocopies[1].wait()


_mesh = plsc.VectorSubcoreMesh(core_axis_name="c", subcore_axis_name="s")

_ebd = functools.partial(
    pl.kernel,
    mesh=_mesh,
    compiler_params=pltpu.CompilerParams(
        needs_layout_passes=False, use_tc_tiling_on_sc=False
    ),
    out_type=jax.ShapeDtypeStruct((B * T, D), jnp.float32),
    scratch_types=[
        pltpu.VMEM((RPW,), jnp.int32),
        pltpu.VMEM((V * D,), jnp.float32),
        pltpu.VMEM((T * D,), jnp.float32),
        pltpu.VMEM((V * T, D), jnp.float32),
        pltpu.VMEM((RPW,), jnp.int32),
        pltpu.VMEM((2, CHUNK, D), jnp.float32),
        pltpu.VMEM_SHARED((V * T, D), jnp.float32),
        pltpu.SemaphoreType.DMA,
        pltpu.SemaphoreType.DMA,
        pltpu.SemaphoreType.DMA,
    ],
)(_body)


@jax.jit
def kernel(X, word_table, pos_table):
    out = _ebd(X.reshape(-1), word_table.reshape(-1), pos_table.reshape(-1))
    return out.reshape(B, T, D)

# --- scband reference (transcript-rebuilt; emitter-appended) ---
"""Pipeline reference for scband-ebd-30545807409884 (READ-ONLY COPY).

The authoritative reference and input builder live on the scoring server;
editing this copy changes nothing except your own understanding.
"""

import jax, jax.numpy as jnp
import numpy as np


def setup_inputs(seed: int = 0) -> dict:
    key = jax.random.key(seed)
    k1, k2, k3 = jax.random.split(key, 3)
    X = jax.random.randint(k1, (16384, 12), 0, 28, dtype=jnp.int64 if jax.config.jax_enable_x64 else jnp.int32).astype(jnp.int32)
    # learned parameters sized per module __init__: nn.Embedding(28, 24), nn.Embedding(12, 24)
    word_table = jax.random.normal(k2, (28, 24), dtype=jnp.float32)
    pos_table = jax.random.normal(k3, (12, 24), dtype=jnp.float32)
    return {"X": X, "word_table": word_table, "pos_table": pos_table}


def reference(X, word_table, pos_table):
    # word_ebd(X): gather rows from word_table -> [B, 12, 24]
    word = jnp.take(word_table, X, axis=0)
    # pos_ebd(arange(12)): gather rows from pos_table -> [12, 24], broadcasts over batch
    pos_t = jnp.arange(0, 12)
    pos = jnp.take(pos_table, pos_t, axis=0)
    return word + pos

if __name__ == "__main__":
    import jax
    _d = setup_inputs()
    print(jax.jit(kernel)(*tuple(_d.values())))

</pallas_src>

<mosaic_0001>
#map = affine_map<(d0, d1) -> (0)>
#map1 = affine_map<(d0, d1) -> (0, 0)>
module attributes {stable_mosaic.version = 14 : i64} {
  func.func @_body(%arg0: i32, %arg1: i32, %arg2: memref<196608xi32, #tpu.memory_space<hbm>>, %arg3: memref<672xf32, #tpu.memory_space<hbm>>, %arg4: memref<288xf32, #tpu.memory_space<hbm>>, %arg5: memref<196608x24xf32, #tpu.memory_space<hbm>>, %arg6: memref<6144xi32, #tpu.memory_space<vmem>>, %arg7: memref<672xf32, #tpu.memory_space<vmem>>, %arg8: memref<288xf32, #tpu.memory_space<vmem>>, %arg9: memref<336x24xf32, #tpu.memory_space<vmem>>, %arg10: memref<6144xi32, #tpu.memory_space<vmem>>, %arg11: memref<2x2048x24xf32, #tpu.memory_space<vmem>>, %arg12: memref<336x24xf32, #tpu.memory_space<vmem_shared>>, %arg13: memref<!tpu.dma_semaphore, #tpu.memory_space<semaphore_mem>>, %arg14: memref<!tpu.dma_semaphore, #tpu.memory_space<semaphore_mem>>, %arg15: memref<!tpu.dma_semaphore, #tpu.memory_space<semaphore_mem>>) attributes {dimension_semantics = [#tpu.dimension_semantics<core_parallel>, #tpu.dimension_semantics<subcore_parallel>], iteration_bounds = array<i64: 2, 16>, scalar_prefetch = 0 : i64, scratch_operands = 10 : i64, tpu.core_type = #tpu.core_type<sc_vector_subcore>, window_params = [{transform_indices = #map}, {transform_indices = #map}, {transform_indices = #map}, {transform_indices = #map1}]} {
    %mul3A = arith.constant 2 : i32
    %mul3A_0 = arith.muli %arg1, %mul3A : i32
    %add3A = arith.addi %mul3A_0, %arg0 : i32
    %mul3A_1 = arith.constant 6144 : i32
    %mul3A_2 = arith.muli %add3A, %mul3A_1 : i32
    %dma_start3A = tpu.memref_slice %arg2[%mul3A_2] : memref<196608xi32, #tpu.memory_space<hbm>> -> memref<6144xi32, #tpu.memory_space<hbm>>
    %dma_start3A_3 = tpu.memref_slice %arg2[%mul3A_2] : memref<196608xi32, #tpu.memory_space<hbm>> -> memref<6144xi32, #tpu.memory_space<hbm>>
    tpu.enqueue_dma source(%dma_start3A_3 : memref<6144xi32, #tpu.memory_space<hbm>>) target(%arg6 : memref<6144xi32, #tpu.memory_space<vmem>>) target_semaphore(%arg15 : memref<!tpu.dma_semaphore, #tpu.memory_space<semaphore_mem>>)
    "tpu.region"() ({
      %run_scoped3A = tpu.sem_alloc : memref<!tpu.dma_semaphore, #tpu.memory_space<semaphore_mem>>
      tpu.enqueue_dma source(%arg3 : memref<672xf32, #tpu.memory_space<hbm>>) target(%arg7 : memref<672xf32, #tpu.memory_space<vmem>>) target_semaphore(%run_scoped3A : memref<!tpu.dma_semaphore, #tpu.memory_space<semaphore_mem>>)
      tpu.wait_dma2 semaphore(%run_scoped3A : memref<!tpu.dma_semaphore, #tpu.memory_space<semaphore_mem>>) src(%arg3 : memref<672xf32, #tpu.memory_space<hbm>>) dst(%arg7 : memref<672xf32, #tpu.memory_space<vmem>>)
      tpu.yield
    }) : () -> ()
    "tpu.region"() ({
      %run_scoped3A = tpu.sem_alloc : memref<!tpu.dma_semaphore, #tpu.memory_space<semaphore_mem>>
      tpu.enqueue_dma source(%arg4 : memref<288xf32, #tpu.memory_space<hbm>>) target(%arg8 : memref<288xf32, #tpu.memory_space<vmem>>) target_semaphore(%run_scoped3A : memref<!tpu.dma_semaphore, #tpu.memory_space<semaphore_mem>>)
      tpu.wait_dma2 semaphore(%run_scoped3A : memref<!tpu.dma_semaphore, #tpu.memory_space<semaphore_mem>>) src(%arg4 : memref<288xf32, #tpu.memory_space<hbm>>) dst(%arg8 : memref<288xf32, #tpu.memory_space<vmem>>)
      tpu.yield
    }) : () -> ()
    %iota3A = tpu.iota {dimensions = array<i32: 0>} : vector<16xi32>
    %iota3A_4 = tpu.iota {dimensions = array<i32: 0>} : vector<16xi32>
    %lt3A = arith.constant 8 : i32
    %lt3A_5 = vector.broadcast %lt3A : i32 to vector<16xi32>
    %lt3A_6 = arith.cmpi slt, %iota3A_4, %lt3A_5 : vector<16xi32>
    %add3A_7 = arith.constant 16 : i32
    %add3A_8 = vector.broadcast %add3A_7 : i32 to vector<16xi32>
    %add3A_9 = arith.addi %iota3A_4, %add3A_8 : vector<16xi32>
    %sub3A = arith.constant 8 : i32
    %sub3A_10 = vector.broadcast %sub3A : i32 to vector<16xi32>
    %sub3A_11 = arith.subi %iota3A_4, %sub3A_10 : vector<16xi32>
    %select_n3A = arith.select %lt3A_6, %add3A_9, %sub3A_11 : vector<16xi1>, vector<16xi32>
    %add3A_12 = arith.constant 8 : i32
    %add3A_13 = vector.broadcast %add3A_12 : i32 to vector<16xi32>
    %add3A_14 = arith.addi %iota3A_4, %add3A_13 : vector<16xi32>
    %mul3A_15 = arith.constant 0 : i32
    %mul3A_16 = vector.broadcast %mul3A_15 : i32 to vector<16xi32>
    %mul3A_17 = arith.muli %iota3A, %mul3A_16 : vector<16xi32>
    %ge3A = arith.constant 8 : i32
    %ge3A_18 = vector.broadcast %ge3A : i32 to vector<16xi32>
    %ge3A_19 = arith.cmpi sge, %iota3A, %ge3A_18 : vector<16xi32>
    %convert_element_type3A = arith.extui %ge3A_19 : vector<16xi1> to vector<16xi32>
    %mul3A_20 = arith.constant 0 : i32
    %mul3A_21 = vector.broadcast %mul3A_20 : i32 to vector<16xi32>
    %mul3A_22 = arith.muli %iota3A, %mul3A_21 : vector<16xi32>
    %add3A_23 = arith.constant 1 : i32
    %add3A_24 = vector.broadcast %add3A_23 : i32 to vector<16xi32>
    %add3A_25 = arith.addi %mul3A_22, %add3A_24 : vector<16xi32>
    %add3A_26 = arith.constant 0 : i32
    %add3A_27 = arith.addi %arg1, %add3A_26 : i32
    %lt3A_28 = arith.constant 28 : i32
    %lt3A_29 = arith.cmpi slt, %add3A_27, %lt3A_28 : i32
    %convert_element_type3A_30 = arith.extui %lt3A_29 : i1 to i32
    %cond3A = arith.constant 0 : i32
    %cond3A_31 = arith.cmpi ne, %convert_element_type3A_30, %cond3A : i32
    scf.if %cond3A_31 {
      %get3A = arith.constant 0 : index
      %get3A_216 = tpu.vector_load %arg8[%get3A] {strides = array<i32>} : memref<288xf32, #tpu.memory_space<vmem>>, vector<16xf32>,
      %mul3A_217 = arith.constant 24 : i32
      %mul3A_218 = arith.muli %add3A_27, %mul3A_217 : i32
      %add3A_219 = vector.broadcast %mul3A_218 : i32 to vector<16xi32>
      %add3A_220 = arith.addi %add3A_219, %iota3A_4 : vector<16xi32>
      %gather3A = tpu.vector_load_idx %arg7[%add3A_220] : memref<672xf32, #tpu.memory_space<vmem>>[vector<16xi32>], vector<16xf32>,
      %mul3A_221 = arith.constant 12 : i32
      %mul3A_222 = arith.muli %add3A_27, %mul3A_221 : i32
      %add3A_223 = arith.constant 0 : i32
      %add3A_224 = arith.addi %mul3A_222, %add3A_223 : i32
      %add3A_225 = vector.broadcast %add3A_224 : i32 to vector<16xi32>
      %add3A_226 = arith.addi %add3A_225, %mul3A_17 : vector<16xi32>
      %add3A_227 = arith.addf %gather3A, %get3A_216 : vector<16xf32>
      tpu.vector_store_idx %arg9[%add3A_226, %iota3A_4], %add3A_227 : memref<336x24xf32, #tpu.memory_space<vmem>>[vector<16xi32>, vector<16xi32>], vector<16xf32>,
      %get3A_228 = arith.constant 16 : index
      %get3A_229 = tpu.vector_load %arg8[%get3A_228] {strides = array<i32>} : memref<288xf32, #tpu.memory_space<vmem>>, vector<16xf32>,
      %mul3A_230 = arith.constant 24 : i32
      %mul3A_231 = arith.muli %add3A_27, %mul3A_230 : i32
      %add3A_232 = vector.broadcast %mul3A_231 : i32 to vector<16xi32>
      %add3A_233 = arith.addi %add3A_232, %select_n3A : vector<16xi32>
      %gather3A_234 = tpu.vector_load_idx %arg7[%add3A_233] : memref<672xf32, #tpu.memory_space<vmem>>[vector<16xi32>], vector<16xf32>,
      %mul3A_235 = arith.constant 12 : i32
      %mul3A_236 = arith.muli %add3A_27, %mul3A_235 : i32
      %add3A_237 = arith.constant 0 : i32
      %add3A_238 = arith.addi %mul3A_236, %add3A_237 : i32
      %add3A_239 = vector.broadcast %add3A_238 : i32 to vector<16xi32>
      %add3A_240 = arith.addi %add3A_239, %convert_element_type3A : vector<16xi32>
      %add3A_241 = arith.addf %gather3A_234, %get3A_229 : vector<16xf32>
      tpu.vector_store_idx %arg9[%add3A_240, %select_n3A], %add3A_241 : memref<336x24xf32, #tpu.memory_space<vmem>>[vector<16xi32>, vector<16xi32>], vector<16xf32>,
      %get3A_242 = arith.constant 32 : index
      %get3A_243 = tpu.vector_load %arg8[%get3A_242] {strides = array<i32>} : memref<288xf32, #tpu.memory_space<vmem>>, vector<16xf32>,
      %mul3A_244 = arith.constant 24 : i32
      %mul3A_245 = arith.muli %add3A_27, %mul3A_244 : i32
      %add3A_246 = vector.broadcast %mul3A_245 : i32 to vector<16xi32>
      %add3A_247 = arith.addi %add3A_246, %add3A_14 : vector<16xi32>
      %gather3A_248 = tpu.vector_load_idx %arg7[%add3A_247] : memref<672xf32, #tpu.memory_space<vmem>>[vector<16xi32>], vector<16xf32>,
      %mul3A_249 = arith.constant 12 : i32
      %mul3A_250 = arith.muli %add3A_27, %mul3A_249 : i32
      %add3A_251 = arith.constant 0 : i32
      %add3A_252 = arith.addi %mul3A_250, %add3A_251 : i32
      %add3A_253 = vector.broadcast %add3A_252 : i32 to vector<16xi32>
      %add3A_254 = arith.addi %add3A_253, %add3A_25 : vector<16xi32>
      %add3A_255 = arith.addf %gather3A_248, %get3A_243 : vector<16xf32>
      tpu.vector_store_idx %arg9[%add3A_254, %add3A_14], %add3A_255 : memref<336x24xf32, #tpu.memory_space<vmem>>[vector<16xi32>, vector<16xi32>], vector<16xf32>,
      %get3A_256 = arith.constant 48 : index
      %get3A_257 = tpu.vector_load %arg8[%get3A_256] {strides = array<i32>} : memref<288xf32, #tpu.memory_space<vmem>>, vector<16xf32>,
      %mul3A_258 = arith.constant 24 : i32
      %mul3A_259 = arith.muli %add3A_27, %mul3A_258 : i32
      %add3A_260 = vector.broadcast %mul3A_259 : i32 to vector<16xi32>
      %add3A_261 = arith.addi %add3A_260, %iota3A_4 : vector<16xi32>
      %gather3A_262 = tpu.vector_load_idx %arg7[%add3A_261] : memref<672xf32, #tpu.memory_space<vmem>>[vector<16xi32>], vector<16xf32>,
      %mul3A_263 = arith.constant 12 : i32
      %mul3A_264 = arith.muli %add3A_27, %mul3A_263 : i32
      %add3A_265 = arith.constant 2 : i32
      %add3A_266 = arith.addi %mul3A_264, %add3A_265 : i32
      %add3A_267 = vector.broadcast %add3A_266 : i32 to vector<16xi32>
      %add3A_268 = arith.addi %add3A_267, %mul3A_17 : vector<16xi32>
      %add3A_269 = arith.addf %gather3A_262, %get3A_257 : vector<16xf32>
      tpu.vector_store_idx %arg9[%add3A_268, %iota3A_4], %add3A_269 : memref<336x24xf32, #tpu.memory_space<vmem>>[vector<16xi32>, vector<16xi32>], vector<16xf32>,
      %get3A_270 = arith.constant 64 : index
      %get3A_271 = tpu.vector_load %arg8[%get3A_270] {strides = array<i32>} : memref<288xf32, #tpu.memory_space<vmem>>, vector<16xf32>,
      %mul3A_272 = arith.constant 24 : i32
      %mul3A_273 = arith.muli %add3A_27, %mul3A_272 : i32
      %add3A_274 = vector.broadcast %mul3A_273 : i32 to vector<16xi32>
      %add3A_275 = arith.addi %add3A_274, %select_n3A : vector<16xi32>
      %gather3A_276 = tpu.vector_load_idx %arg7[%add3A_275] : memref<672xf32, #tpu.memory_space<vmem>>[vector<16xi32>], vector<16xf32>,
      %mul3A_277 = arith.constant 12 : i32
      %mul3A_278 = arith.muli %add3A_27, %mul3A_277 : i32
      %add3A_279 = arith.constant 2 : i32
      %add3A_280 = arith.addi %mul3A_278, %add3A_279 : i32
      %add3A_281 = vector.broadcast %add3A_280 : i32 to vector<16xi32>
      %add3A_282 = arith.addi %add3A_281, %convert_element_type3A : vector<16xi32>
      %add3A_283 = arith.addf %gather3A_276, %get3A_271 : vector<16xf32>
      tpu.vector_store_idx %arg9[%add3A_282, %select_n3A], %add3A_283 : memref<336x24xf32, #tpu.memory_space<vmem>>[vector<16xi32>, vector<16xi32>], vector<16xf32>,
      %get3A_284 = arith.constant 80 : index
      %get3A_285 = tpu.vector_load %arg8[%get3A_284] {strides = array<i32>} : memref<288xf32, #tpu.memory_space<vmem>>, vector<16xf32>,
      %mul3A_286 = arith.constant 24 : i32
      %mul3A_287 = arith.muli %add3A_27, %mul3A_286 : i32
      %add3A_288 = vector.broadcast %mul3A_287 : i32 to vector<16xi32>
      %add3A_289 = arith.addi %add3A_288, %add3A_14 : vector<16xi32>
      %gather3A_290 = tpu.vector_load_idx %arg7[%add3A_289] : memref<672xf32, #tpu.memory_space<vmem>>[vector<16xi32>], vector<16xf32>,
      %mul3A_291 = arith.constant 12 : i32
      %mul3A_292 = arith.muli %add3A_27, %mul3A_291 : i32
      %add3A_293 = arith.constant 2 : i32
      %add3A_294 = arith.addi %mul3A_292, %add3A_293 : i32
      %add3A_295 = vector.broadcast %add3A_294 : i32 to vector<16xi32>
      %add3A_296 = arith.addi %add3A_295, %add3A_25 : vector<16xi32>
      %add3A_297 = arith.addf %gather3A_290, %get3A_285 : vector<16xf32>
      tpu.vector_store_idx %arg9[%add3A_296, %add3A_14], %add3A_297 : memref<336x24xf32, #tpu.memory_space<vmem>>[vector<16xi32>, vector<16xi32>], vector<16xf32>,
      %get3A_298 = arith.constant 96 : index
      %get3A_299 = tpu.vector_load %arg8[%get3A_298] {strides = array<i32>} : memref<288xf32, #tpu.memory_space<vmem>>, vector<16xf32>,
      %mul3A_300 = arith.constant 24 : i32
      %mul3A_301 = arith.muli %add3A_27, %mul3A_300 : i32
      %add3A_302 = vector.broadcast %mul3A_301 : i32 to vector<16xi32>
      %add3A_303 = arith.addi %add3A_302, %iota3A_4 : vector<16xi32>
      %gather3A_304 = tpu.vector_load_idx %arg7[%add3A_303] : memref<672xf32, #tpu.memory_space<vmem>>[vector<16xi32>], vector<16xf32>,
      %mul3A_305 = arith.constant 12 : i32
      %mul3A_306 = arith.muli %add3A_27, %mul3A_305 : i32
      %add3A_307 = arith.constant 4 : i32
      %add3A_308 = arith.addi %mul3A_306, %add3A_307 : i32
      %add3A_309 = vector.broadcast %add3A_308 : i32 to vector<16xi32>
      %add3A_310 = arith.addi %add3A_309, %mul3A_17 : vector<16xi32>
      %add3A_311 = arith.addf %gather3A_304, %get3A_299 : vector<16xf32>
      tpu.vector_store_idx %arg9[%add3A_310, %iota3A_4], %add3A_311 : memref<336x24xf32, #tpu.memory_space<vmem>>[vector<16xi32>, vector<16xi32>], vector<16xf32>,
      %get3A_312 = arith.constant 112 : index
      %get3A_313 = tpu.vector_load %arg8[%get3A_312] {strides = array<i32>} : memref<288xf32, #tpu.memory_space<vmem>>, vector<16xf32>,
      %mul3A_314 = arith.constant 24 : i32
      %mul3A_315 = arith.muli %add3A_27, %mul3A_314 : i32
      %add3A_316 = vector.broadcast %mul3A_315 : i32 to vector<16xi32>
      %add3A_317 = arith.addi %add3A_316, %select_n3A : vector<16xi32>
      %gather3A_318 = tpu.vector_load_idx %arg7[%add3A_317] : memref<672xf32, #tpu.memory_space<vmem>>[vector<16xi32>], vector<16xf32>,
      %mul3A_319 = arith.constant 12 : i32
      %mul3A_320 = arith.muli %add3A_27, %mul3A_319 : i32
      %add3A_321 = arith.constant 4 : i32
      %add3A_322 = arith.addi %mul3A_320, %add3A_321 : i32
      %add3A_323 = vector.broadcast %add3A_322 : i32 to vector<16xi32>
      %add3A_324 = arith.addi %add3A_323, %convert_element_type3A : vector<16xi32>
      %add3A_325 = arith.addf %gather3A_318, %get3A_313 : vector<16xf32>
      tpu.vector_store_idx %arg9[%add3A_324, %select_n3A], %add3A_325 : memref<336x24xf32, #tpu.memory_space<vmem>>[vector<16xi32>, vector<16xi32>], vector<16xf32>,
      %get3A_326 = arith.constant 128 : index
      %get3A_327 = tpu.vector_load %arg8[%get3A_326] {strides = array<i32>} : memref<288xf32, #tpu.memory_space<vmem>>, vector<16xf32>,
      %mul3A_328 = arith.constant 24 : i32
      %mul3A_329 = arith.muli %add3A_27, %mul3A_328 : i32
      %add3A_330 = vector.broadcast %mul3A_329 : i32 to vector<16xi32>
      %add3A_331 = arith.addi %add3A_330, %add3A_14 : vector<16xi32>
      %gather3A_332 = tpu.vector_load_idx %arg7[%add3A_331] : memref<672xf32, #tpu.memory_space<vmem>>[vector<16xi32>], vector<16xf32>,
      %mul3A_333 = arith.constant 12 : i32
      %mul3A_334 = arith.muli %add3A_27, %mul3A_333 : i32
      %add3A_335 = arith.constant 4 : i32
      %add3A_336 = arith.addi %mul3A_334, %add3A_335 : i32
      %add3A_337 = vector.broadcast %add3A_336 : i32 to vector<16xi32>
      %add3A_338 = arith.addi %add3A_337, %add3A_25 : vector<16xi32>
      %add3A_339 = arith.addf %gather3A_332, %get3A_327 : vector<16xf32>
      tpu.vector_store_idx %arg9[%add3A_338, %add3A_14], %add3A_339 : memref<336x24xf32, #tpu.memory_space<vmem>>[vector<16xi32>, vector<16xi32>], vector<16xf32>,
      %get3A_340 = arith.constant 144 : index
      %get3A_341 = tpu.vector_load %arg8[%get3A_340] {strides = array<i32>} : memref<288xf32, #tpu.memory_space<vmem>>, vector<16xf32>,
      %mul3A_342 = arith.constant 24 : i32
      %mul3A_343 = arith.muli %add3A_27, %mul3A_342 : i32
      %add3A_344 = vector.broadcast %mul3A_343 : i32 to vector<16xi32>
      %add3A_345 = arith.addi %add3A_344, %iota3A_4 : vector<16xi32>
      %gather3A_346 = tpu.vector_load_idx %arg7[%add3A_345] : memref<672xf32, #tpu.memory_space<vmem>>[vector<16xi32>], vector<16xf32>,
      %mul3A_347 = arith.constant 12 : i32
      %mul3A_348 = arith.muli %add3A_27, %mul3A_347 : i32
      %add3A_349 = arith.constant 6 : i32
      %add3A_350 = arith.addi %mul3A_348, %add3A_349 : i32
      %add3A_351 = vector.broadcast %add3A_350 : i32 to vector<16xi32>
      %add3A_352 = arith.addi %add3A_351, %mul3A_17 : vector<16xi32>
      %add3A_353 = arith.addf %gather3A_346, %get3A_341 : vector<16xf32>
      tpu.vector_store_idx %arg9[%add3A_352, %iota3A_4], %add3A_353 : memref<336x24xf32, #tpu.memory_space<vmem>>[vector<16xi32>, vector<16xi32>], vector<16xf32>,
      %get3A_354 = arith.constant 160 : index
      %get3A_355 = tpu.vector_load %arg8[%get3A_354] {strides = array<i32>} : memref<288xf32, #tpu.memory_space<vmem>>, vector<16xf32>,
      %mul3A_356 = arith.constant 24 : i32
      %mul3A_357 = arith.muli %add3A_27, %mul3A_356 : i32
      %add3A_358 = vector.broadcast %mul3A_357 : i32 to vector<16xi32>
      %add3A_359 = arith.addi %add3A_358, %select_n3A : vector<16xi32>
      %gather3A_360 = tpu.vector_load_idx %arg7[%add3A_359] : memref<672xf32, #tpu.memory_space<vmem>>[vector<16xi32>], vector<16xf32>,
      %mul3A_361 = arith.constant 12 : i32
      %mul3A_362 = arith.muli %add3A_27, %mul3A_361 : i32
      %add3A_363 = arith.constant 6 : i32
      %add3A_364 = arith.addi %mul3A_362, %add3A_363 : i32
      %add3A_365 = vector.broadcast %add3A_364 : i32 to vector<16xi32>
      %add3A_366 = arith.addi %add3A_365, %convert_element_type3A : vector<16xi32>
      %add3A_367 = arith.addf %gather3A_360, %get3A_355 : vector<16xf32>
      tpu.vector_store_idx %arg9[%add3A_366, %select_n3A], %add3A_367 : memref<336x24xf32, #tpu.memory_space<vmem>>[vector<16xi32>, vector<16xi32>], vector<16xf32>,
      %get3A_368 = arith.constant 176 : index
      %get3A_369 = tpu.vector_load %arg8[%get3A_368] {strides = array<i32>} : memref<288xf32, #tpu.memory_space<vmem>>, vector<16xf32>,
      %mul3A_370 = arith.constant 24 : i32
      %mul3A_371 = arith.muli %add3A_27, %mul3A_370 : i32
      %add3A_372 = vector.broadcast %mul3A_371 : i32 to vector<16xi32>
      %add3A_373 = arith.addi %add3A_372, %add3A_14 : vector<16xi32>
      %gather3A_374 = tpu.vector_load_idx %arg7[%add3A_373] : memref<672xf32, #tpu.memory_space<vmem>>[vector<16xi32>], vector<16xf32>,
      %mul3A_375 = arith.constant 12 : i32
      %mul3A_376 = arith.muli %add3A_27, %mul3A_375 : i32
      %add3A_377 = arith.constant 6 : i32
      %add3A_378 = arith.addi %mul3A_376, %add3A_377 : i32
      %add3A_379 = vector.broadcast %add3A_378 : i32 to vector<16xi32>
      %add3A_380 = arith.addi %add3A_379, %add3A_25 : vector<16xi32>
      %add3A_381 = arith.addf %gather3A_374, %get3A_369 : vector<16xf32>
      tpu.vector_store_idx %arg9[%add3A_380, %add3A_14], %add3A_381 : memref<336x24xf32, #tpu.memory_space<vmem>>[vector<16xi32>, vector<16xi32>], vector<16xf32>,
      %get3A_382 = arith.constant 192 : index
      %get3A_383 = tpu.vector_load %arg8[%get3A_382] {strides = array<i32>} : memref<288xf32, #tpu.memory_space<vmem>>, vector<16xf32>,
      %mul3A_384 = arith.constant 24 : i32
      %mul3A_385 = arith.muli %add3A_27, %mul3A_384 : i32
      %add3A_386 = vector.broadcast %mul3A_385 : i32 to vector<16xi32>
      %add3A_387 = arith.addi %add3A_386, %iota3A_4 : vector<16xi32>
      %gather3A_388 = tpu.vector_load_idx %arg7[%add3A_387] : memref<672xf32, #tpu.memory_space<vmem>>[vector<16xi32>], vector<16xf32>,
      %mul3A_389 = arith.constant 12 : i32
      %mul3A_390 = arith.muli %add3A_27, %mul3A_389 : i32
      %add3A_391 = arith.constant 8 : i32
      %add3A_392 = arith.addi %mul3A_390, %add3A_391 : i32
      %add3A_393 = vector.broadcast %add3A_392 : i32 to vector<16xi32>
      %add3A_394 = arith.addi %add3A_393, %mul3A_17 : vector<16xi32>
      %add3A_395 = arith.addf %gather3A_388, %get3A_383 : vector<16xf32>
      tpu.vector_store_idx %arg9[%add3A_394, %iota3A_4], %add3A_395 : memref<336x24xf32, #tpu.memory_space<vmem>>[vector<16xi32>, vector<16xi32>], vector<16xf32>,
      %get3A_396 = arith.constant 208 : index
      %get3A_397 = tpu.vector_load %arg8[%get3A_396] {strides = array<i32>} : memref<288xf32, #tpu.memory_space<vmem>>, vector<16xf32>,
      %mul3A_398 = arith.constant 24 : i32
      %mul3A_399 = arith.muli %add3A_27, %mul3A_398 : i32
      %add3A_400 = vector.broadcast %mul3A_399 : i32 to vector<16xi32>
      %add3A_401 = arith.addi %add3A_400, %select_n3A : vector<16xi32>
      %gather3A_402 = tpu.vector_load_idx %arg7[%add3A_401] : memref<672xf32, #tpu.memory_space<vmem>>[vector<16xi32>], vector<16xf32>,
      %mul3A_403 = arith.constant 12 : i32
      %mul3A_404 = arith.muli %add3A_27, %mul3A_403 : i32
      %add3A_405 = arith.constant 8 : i32
      %add3A_406 = arith.addi %mul3A_404, %add3A_405 : i32
      %add3A_407 = vector.broadcast %add3A_406 : i32 to vector<16xi32>
      %add3A_408 = arith.addi %add3A_407, %convert_element_type3A : vector<16xi32>
      %add3A_409 = arith.addf %gather3A_402, %get3A_397 : vector<16xf32>
      tpu.vector_store_idx %arg9[%add3A_408, %select_n3A], %add3A_409 : memref<336x24xf32, #tpu.memory_space<vmem>>[vector<16xi32>, vector<16xi32>], vector<16xf32>,
      %get3A_410 = arith.constant 224 : index
      %get3A_411 = tpu.vector_load %arg8[%get3A_410] {strides = array<i32>} : memref<288xf32, #tpu.memory_space<vmem>>, vector<16xf32>,
      %mul3A_412 = arith.constant 24 : i32
      %mul3A_413 = arith.muli %add3A_27, %mul3A_412 : i32
      %add3A_414 = vector.broadcast %mul3A_413 : i32 to vector<16xi32>
      %add3A_415 = arith.addi %add3A_414, %add3A_14 : vector<16xi32>
      %gather3A_416 = tpu.vector_load_idx %arg7[%add3A_415] : memref<672xf32, #tpu.memory_space<vmem>>[vector<16xi32>], vector<16xf32>,
      %mul3A_417 = arith.constant 12 : i32
      %mul3A_418 = arith.muli %add3A_27, %mul3A_417 : i32
      %add3A_419 = arith.constant 8 : i32
      %add3A_420 = arith.addi %mul3A_418, %add3A_419 : i32
      %add3A_421 = vector.broadcast %add3A_420 : i32 to vector<16xi32>
      %add3A_422 = arith.addi %add3A_421, %add3A_25 : vector<16xi32>
      %add3A_423 = arith.addf %gather3A_416, %get3A_411 : vector<16xf32>
      tpu.vector_store_idx %arg9[%add3A_422, %add3A_14], %add3A_423 : memref<336x24xf32, #tpu.memory_space<vmem>>[vector<16xi32>, vector<16xi32>], vector<16xf32>,
      %get3A_424 = arith.constant 240 : index
      %get3A_425 = tpu.vector_load %arg8[%get3A_424] {strides = array<i32>} : memref<288xf32, #tpu.memory_space<vmem>>, vector<16xf32>,
      %mul3A_426 = arith.constant 24 : i32
      %mul3A_427 = arith.muli %add3A_27, %mul3A_426 : i32
      %add3A_428 = vector.broadcast %mul3A_427 : i32 to vector<16xi32>
      %add3A_429 = arith.addi %add3A_428, %iota3A_4 : vector<16xi32>
      %gather3A_430 = tpu.vector_load_idx %arg7[%add3A_429] : memref<672xf32, #tpu.memory_space<vmem>>[vector<16xi32>], vector<16xf32>,
      %mul3A_431 = arith.constant 12 : i32
      %mul3A_432 = arith.muli %add3A_27, %mul3A_431 : i32
      %add3A_433 = arith.constant 10 : i32
      %add3A_434 = arith.addi %mul3A_432, %add3A_433 : i32
      %add3A_435 = vector.broadcast %add3A_434 : i32 to vector<16xi32>
      %add3A_436 = arith.addi %add3A_435, %mul3A_17 : vector<16xi32>
      %add3A_437 = arith.addf %gather3A_430, %get3A_425 : vector<16xf32>
      tpu.vector_store_idx %arg9[%add3A_436, %iota3A_4], %add3A_437 : memref<336x24xf32, #tpu.memory_space<vmem>>[vector<16xi32>, vector<16xi32>], vector<16xf32>,
      %get3A_438 = arith.constant 256 : index
      %get3A_439 = tpu.vector_load %arg8[%get3A_438] {strides = array<i32>} : memref<288xf32, #tpu.memory_space<vmem>>, vector<16xf32>,
      %mul3A_440 = arith.constant 24 : i32
      %mul3A_441 = arith.muli %add3A_27, %mul3A_440 : i32
      %add3A_442 = vector.broadcast %mul3A_441 : i32 to vector<16xi32>
      %add3A_443 = arith.addi %add3A_442, %select_n3A : vector<16xi32>
      %gather3A_444 = tpu.vector_load_idx %arg7[%add3A_443] : memref<672xf32, #tpu.memory_space<vmem>>[vector<16xi32>], vector<16xf32>,
      %mul3A_445 = arith.constant 12 : i32
      %mul3A_446 = arith.muli %add3A_27, %mul3A_445 : i32
      %add3A_447 = arith.constant 10 : i32
      %add3A_448 = arith.addi %mul3A_446, %add3A_447 : i32
      %add3A_449 = vector.broadcast %add3A_448 : i32 to vector<16xi32>
      %add3A_450 = arith.addi %add3A_449, %convert_element_type3A : vector<16xi32>
      %add3A_451 = arith.addf %gather3A_444, %get3A_439 : vector<16xf32>
      tpu.vector_store_idx %arg9[%add3A_450, %select_n3A], %add3A_451 : memref<336x24xf32, #tpu.memory_space<vmem>>[vector<16xi32>, vector<16xi32>], vector<16xf32>,
      %get3A_452 = arith.constant 272 : index
      %get3A_453 = tpu.vector_load %arg8[%get3A_452] {strides = array<i32>} : memref<288xf32, #tpu.memory_space<vmem>>, vector<16xf32>,
      %mul3A_454 = arith.constant 24 : i32
      %mul3A_455 = arith.muli %add3A_27, %mul3A_454 : i32
      %add3A_456 = vector.broadcast %mul3A_455 : i32 to vector<16xi32>
      %add3A_457 = arith.addi %add3A_456, %add3A_14 : vector<16xi32>
      %gather3A_458 = tpu.vector_load_idx %arg7[%add3A_457] : memref<672xf32, #tpu.memory_space<vmem>>[vector<16xi32>], vector<16xf32>,
      %mul3A_459 = arith.constant 12 : i32
      %mul3A_460 = arith.muli %add3A_27, %mul3A_459 : i32
      %add3A_461 = arith.constant 10 : i32
      %add3A_462 = arith.addi %mul3A_460, %add3A_461 : i32
      %add3A_463 = vector.broadcast %add3A_462 : i32 to vector<16xi32>
      %add3A_464 = arith.addi %add3A_463, %add3A_25 : vector<16xi32>
      %add3A_465 = arith.addf %gather3A_458, %get3A_453 : vector<16xf32>
      tpu.vector_store_idx %arg9[%add3A_464, %add3A_14], %add3A_465 : memref<336x24xf32, #tpu.memory_space<vmem>>[vector<16xi32>, vector<16xi32>], vector<16xf32>,
      %mul3A_466 = arith.constant 12 : i32
      %mul3A_467 = arith.muli %add3A_27, %mul3A_466 : i32
      %mul3A_468 = arith.constant 12 : i32
      %mul3A_469 = arith.muli %add3A_27, %mul3A_468 : i32
      "tpu.region"() ({
        %run_scoped3A = tpu.sem_alloc : memref<!tpu.dma_semaphore, #tpu.memory_space<semaphore_mem>>
        %dma_start3A_470 = arith.constant 0 : i32
        %dma_start3A_471 = tpu.memref_slice %arg9[%mul3A_467, %dma_start3A_470] : memref<336x24xf32, #tpu.memory_space<vmem>> -> memref<12x24xf32, #tpu.memory_space<vmem>>
        %dma_start3A_472 = arith.constant 0 : i32
        %dma_start3A_473 = tpu.memref_slice %arg12[%mul3A_469, %dma_start3A_472] : memref<336x24xf32, #tpu.memory_space<vmem_shared>> -> memref<12x24xf32, #tpu.memory_space<vmem_shared>>
        %dma_start3A_474 = arith.constant 0 : i32
        %dma_start3A_475 = tpu.memref_slice %arg12[%mul3A_469, %dma_start3A_474] : memref<336x24xf32, #tpu.memory_space<vmem_shared>> -> memref<12x24xf32, #tpu.memory_space<vmem_shared>>
        %dma_start3A_476 = arith.constant 0 : i32
        %dma_start3A_477 = tpu.memref_slice %arg9[%mul3A_467, %dma_start3A_476] : memref<336x24xf32, #tpu.memory_space<vmem>> -> memref<12x24xf32, #tpu.memory_space<vmem>>
        tpu.enqueue_dma source(%dma_start3A_477 : memref<12x24xf32, #tpu.memory_space<vmem>>) target(%dma_start3A_475 : memref<12x24xf32, #tpu.memory_space<vmem_shared>>) target_semaphore(%run_scoped3A : memref<!tpu.dma_semaphore, #tpu.memory_space<semaphore_mem>>)
        %dma_wait3A_478 = arith.constant 0 : i32
        %dma_wait3A_479 = tpu.memref_slice %arg9[%mul3A_467, %dma_wait3A_478] : memref<336x24xf32, #tpu.memory_space<vmem>> -> memref<12x24xf32, #tpu.memory_space<vmem>>
        %dma_wait3A_480 = arith.constant 0 : i32
        %dma_wait3A_481 = tpu.memref_slice %arg12[%mul3A_469, %dma_wait3A_480] : memref<336x24xf32, #tpu.memory_space<vmem_shared>> -> memref<12x24xf32, #tpu.memory_space<vmem_shared>>
        %dma_wait3A_482 = arith.constant 0 : i32
        %dma_wait3A_483 = tpu.memref_slice %arg12[%mul3A_469, %dma_wait3A_482] : memref<336x24xf32, #tpu.memory_space<vmem_shared>> -> memref<12x24xf32, #tpu.memory_space<vmem_shared>>
        %dma_wait3A_484 = arith.constant 0 : i32
        %dma_wait3A_485 = tpu.memref_slice %arg9[%mul3A_467, %dma_wait3A_484] : memref<336x24xf32, #tpu.memory_space<vmem>> -> memref<12x24xf32, #tpu.memory_space<vmem>>
        tpu.wait_dma2 semaphore(%run_scoped3A : memref<!tpu.dma_semaphore, #tpu.memory_space<semaphore_mem>>) src(%dma_wait3A_485 : memref<12x24xf32, #tpu.memory_space<vmem>>) dst(%dma_wait3A_483 : memref<12x24xf32, #tpu.memory_space<vmem_shared>>)
        tpu.yield
      }) : () -> ()
    } else {
    }
    %add3A_32 = arith.constant 16 : i32
    %add3A_33 = arith.addi %arg1, %add3A_32 : i32
    %lt3A_34 = arith.constant 28 : i32
    %lt3A_35 = arith.cmpi slt, %add3A_33, %lt3A_34 : i32
    %convert_element_type3A_36 = arith.extui %lt3A_35 : i1 to i32
    %cond3A_37 = arith.constant 0 : i32
    %cond3A_38 = arith.cmpi ne, %convert_element_type3A_36, %cond3A_37 : i32
    scf.if %cond3A_38 {
      %get3A = arith.constant 0 : index
      %get3A_216 = tpu.vector_load %arg8[%get3A] {strides = array<i32>} : memref<288xf32, #tpu.memory_space<vmem>>, vector<16xf32>,
      %mul3A_217 = arith.constant 24 : i32
      %mul3A_218 = arith.muli %add3A_33, %mul3A_217 : i32
      %add3A_219 = vector.broadcast %mul3A_218 : i32 to vector<16xi32>
      %add3A_220 = arith.addi %add3A_219, %iota3A_4 : vector<16xi32>
      %gather3A = tpu.vector_load_idx %arg7[%add3A_220] : memref<672xf32, #tpu.memory_space<vmem>>[vector<16xi32>], vector<16xf32>,
      %mul3A_221 = arith.constant 12 : i32
      %mul3A_222 = arith.muli %add3A_33, %mul3A_221 : i32
      %add3A_223 = arith.constant 0 : i32
      %add3A_224 = arith.addi %mul3A_222, %add3A_223 : i32
      %add3A_225 = vector.broadcast %add3A_224 : i32 to vector<16xi32>
      %add3A_226 = arith.addi %add3A_225, %mul3A_17 : vector<16xi32>
      %add3A_227 = arith.addf %gather3A, %get3A_216 : vector<16xf32>
      tpu.vector_store_idx %arg9[%add3A_226, %iota3A_4], %add3A_227 : memref<336x24xf32, #tpu.memory_space<vmem>>[vector<16xi32>, vector<16xi32>], vector<16xf32>,
      %get3A_228 = arith.constant 16 : index
      %get3A_229 = tpu.vector_load %arg8[%get3A_228] {strides = array<i32>} : memref<288xf32, #tpu.memory_space<vmem>>, vector<16xf32>,
      %mul3A_230 = arith.constant 24 : i32
      %mul3A_231 = arith.muli %add3A_33, %mul3A_230 : i32
      %add3A_232 = vector.broadcast %mul3A_231 : i32 to vector<16xi32>
      %add3A_233 = arith.addi %add3A_232, %select_n3A : vector<16xi32>
      %gather3A_234 = tpu.vector_load_idx %arg7[%add3A_233] : memref<672xf32, #tpu.memory_space<vmem>>[vector<16xi32>], vector<16xf32>,
      %mul3A_235 = arith.constant 12 : i32
      %mul3A_236 = arith.muli %add3A_33, %mul3A_235 : i32
      %add3A_237 = arith.constant 0 : i32
      %add3A_238 = arith.addi %mul3A_236, %add3A_237 : i32
      %add3A_239 = vector.broadcast %add3A_238 : i32 to vector<16xi32>
      %add3A_240 = arith.addi %add3A_239, %convert_element_type3A : vector<16xi32>
      %add3A_241 = arith.addf %gather3A_234, %get3A_229 : vector<16xf32>
      tpu.vector_store_idx %arg9[%add3A_240, %select_n3A], %add3A_241 : memref<336x24xf32, #tpu.memory_space<vmem>>[vector<16xi32>, vector<16xi32>], vector<16xf32>,
      %get3A_242 = arith.constant 32 : index
      %get3A_243 = tpu.vector_load %arg8[%get3A_242] {strides = array<i32>} : memref<288xf32, #tpu.memory_space<vmem>>, vector<16xf32>,
      %mul3A_244 = arith.constant 24 : i32
      %mul3A_245 = arith.muli %add3A_33, %mul3A_244 : i32
      %add3A_246 = vector.broadcast %mul3A_245 : i32 to vector<16xi32>
      %add3A_247 = arith.addi %add3A_246, %add3A_14 : vector<16xi32>
      %gather3A_248 = tpu.vector_load_idx %arg7[%add3A_247] : memref<672xf32, #tpu.memory_space<vmem>>[vector<16xi32>], vector<16xf32>,
      %mul3A_249 = arith.constant 12 : i32
      %mul3A_250 = arith.muli %add3A_33, %mul3A_249 : i32
      %add3A_251 = arith.constant 0 : i32
      %add3A_252 = arith.addi %mul3A_250, %add3A_251 : i32
      %add3A_253 = vector.broadcast %add3A_252 : i32 to vector<16xi32>
      %add3A_254 = arith.addi %add3A_253, %add3A_25 : vector<16xi32>
      %add3A_255 = arith.addf %gather3A_248, %get3A_243 : vector<16xf32>
      tpu.vector_store_idx %arg9[%add3A_254, %add3A_14], %add3A_255 : memref<336x24xf32, #tpu.memory_space<vmem>>[vector<16xi32>, vector<16xi32>], vector<16xf32>,
      %get3A_256 = arith.constant 48 : index
      %get3A_257 = tpu.vector_load %arg8[%get3A_256] {strides = array<i32>} : memref<288xf32, #tpu.memory_space<vmem>>, vector<16xf32>,
      %mul3A_258 = arith.constant 24 : i32
      %mul3A_259 = arith.muli %add3A_33, %mul3A_258 : i32
      %add3A_260 = vector.broadcast %mul3A_259 : i32 to vector<16xi32>
      %add3A_261 = arith.addi %add3A_260, %iota3A_4 : vector<16xi32>
      %gather3A_262 = tpu.vector_load_idx %arg7[%add3A_261] : memref<672xf32, #tpu.memory_space<vmem>>[vector<16xi32>], vector<16xf32>,
      %mul3A_263 = arith.constant 12 : i32
      %mul3A_264 = arith.muli %add3A_33, %mul3A_263 : i32
      %add3A_265 = arith.constant 2 : i32
      %add3A_266 = arith.addi %mul3A_264, %add3A_265 : i32
      %add3A_267 = vector.broadcast %add3A_266 : i32 to vector<16xi32>
      %add3A_268 = arith.addi %add3A_267, %mul3A_17 : vector<16xi32>
      %add3A_269 = arith.addf %gather3A_262, %get3A_257 : vector<16xf32>
      tpu.vector_store_idx %arg9[%add3A_268, %iota3A_4], %add3A_269 : memref<336x24xf32, #tpu.memory_space<vmem>>[vector<16xi32>, vector<16xi32>], vector<16xf32>,
      %get3A_270 = arith.constant 64 : index
      %get3A_271 = tpu.vector_load %arg8[%get3A_270] {strides = array<i32>} : memref<288xf32, #tpu.memory_space<vmem>>, vector<16xf32>,
      %mul3A_272 = arith.constant 24 : i32
      %mul3A_273 = arith.muli %add3A_33, %mul3A_272 : i32
      %add3A_274 = vector.broadcast %mul3A_273 : i32 to vector<16xi32>
      %add3A_275 = arith.addi %add3A_274, %select_n3A : vector<16xi32>
      %gather3A_276 = tpu.vector_load_idx %arg7[%add3A_275] : memref<672xf32, #tpu.memory_space<vmem>>[vector<16xi32>], vector<16xf32>,
      %mul3A_277 = arith.constant 12 : i32
      %mul3A_278 = arith.muli %add3A_33, %mul3A_277 : i32
      %add3A_279 = arith.constant 2 : i32
      %add3A_280 = arith.addi %mul3A_278, %add3A_279 : i32
      %add3A_281 = vector.broadcast %add3A_280 : i32 to vector<16xi32>
      %add3A_282 = arith.addi %add3A_281, %convert_element_type3A : vector<16xi32>
      %add3A_283 = arith.addf %gather3A_276, %get3A_271 : vector<16xf32>
      tpu.vector_store_idx %arg9[%add3A_282, %select_n3A], %add3A_283 : memref<336x24xf32, #tpu.memory_space<vmem>>[vector<16xi32>, vector<16xi32>], vector<16xf32>,
      %get3A_284 = arith.constant 80 : index
      %get3A_285 = tpu.vector_load %arg8[%get3A_284] {strides = array<i32>} : memref<288xf32, #tpu.memory_space<vmem>>, vector<16xf32>,
      %mul3A_286 = arith.constant 24 : i32
      %mul3A_287 = arith.muli %add3A_33, %mul3A_286 : i32
      %add3A_288 = vector.broadcast %mul3A_287 : i32 to vector<16xi32>
      %add3A_289 = arith.addi %add3A_288, %add3A_14 : vector<16xi32>
      %gather3A_290 = tpu.vector_load_idx %arg7[%add3A_289] : memref<672xf32, #tpu.memory_space<vmem>>[vector<16xi32>], vector<16xf32>,
      %mul3A_291 = arith.constant 12 : i32
      %mul3A_292 = arith.muli %add3A_33, %mul3A_291 : i32
      %add3A_293 = arith.constant 2 : i32
      %add3A_294 = arith.addi %mul3A_292, %add3A_293 : i32
      %add3A_295 = vector.broadcast %add3A_294 : i32 to vector<16xi32>
      %add3A_296 = arith.addi %add3A_295, %add3A_25 : vector<16xi32>
      %add3A_297 = arith.addf %gather3A_290, %get3A_285 : vector<16xf32>
      tpu.vector_store_idx %arg9[%add3A_296, %add3A_14], %add3A_297 : memref<336x24xf32, #tpu.memory_space<vmem>>[vector<16xi32>, vector<16xi32>], vector<16xf32>,
      %get3A_298 = arith.constant 96 : index
      %get3A_299 = tpu.vector_load %arg8[%get3A_298] {strides = array<i32>} : memref<288xf32, #tpu.memory_space<vmem>>, vector<16xf32>,
      %mul3A_300 = arith.constant 24 : i32
      %mul3A_301 = arith.muli %add3A_33, %mul3A_300 : i32
      %add3A_302 = vector.broadcast %mul3A_301 : i32 to vector<16xi32>
      %add3A_303 = arith.addi %add3A_302, %iota3A_4 : vector<16xi32>
      %gather3A_304 = tpu.vector_load_idx %arg7[%add3A_303] : memref<672xf32, #tpu.memory_space<vmem>>[vector<16xi32>], vector<16xf32>,
      %mul3A_305 = arith.constant 12 : i32
      %mul3A_306 = arith.muli %add3A_33, %mul3A_305 : i32
      %add3A_307 = arith.constant 4 : i32
      %add3A_308 = arith.addi %mul3A_306, %add3A_307 : i32
      %add3A_309 = vector.broadcast %add3A_308 : i32 to vector<16xi32>
      %add3A_310 = arith.addi %add3A_309, %mul3A_17 : vector<16xi32>
      %add3A_311 = arith.addf %gather3A_304, %get3A_299 : vector<16xf32>
      tpu.vector_store_idx %arg9[%add3A_310, %iota3A_4], %add3A_311 : memref<336x24xf32, #tpu.memory_space<vmem>>[vector<16xi32>, vector<16xi32>], vector<16xf32>,
      %get3A_312 = arith.constant 112 : index
      %get3A_313 = tpu.vector_load %arg8[%get3A_312] {strides = array<i32>} : memref<288xf32, #tpu.memory_space<vmem>>, vector<16xf32>,
      %mul3A_314 = arith.constant 24 : i32
      %mul3A_315 = arith.muli %add3A_33, %mul3A_314 : i32
      %add3A_316 = vector.broadcast %mul3A_315 : i32 to vector<16xi32>
      %add3A_317 = arith.addi %add3A_316, %select_n3A : vector<16xi32>
      %gather3A_318 = tpu.vector_load_idx %arg7[%add3A_317] : memref<672xf32, #tpu.memory_space<vmem>>[vector<16xi32>], vector<16xf32>,
      %mul3A_319 = arith.constant 12 : i32
      %mul3A_320 = arith.muli %add3A_33, %mul3A_319 : i32
      %add3A_321 = arith.constant 4 : i32
      %add3A_322 = arith.addi %mul3A_320, %add3A_321 : i32
      %add3A_323 = vector.broadcast %add3A_322 : i32 to vector<16xi32>
      %add3A_324 = arith.addi %add3A_323, %convert_element_type3A : vector<16xi32>
      %add3A_325 = arith.addf %gather3A_318, %get3A_313 : vector<16xf32>
      tpu.vector_store_idx %arg9[%add3A_324, %select_n3A], %add3A_325 : memref<336x24xf32, #tpu.memory_space<vmem>>[vector<16xi32>, vector<16xi32>], vector<16xf32>,
      %get3A_326 = arith.constant 128 : index
      %get3A_327 = tpu.vector_load %arg8[%get3A_326] {strides = array<i32>} : memref<288xf32, #tpu.memory_space<vmem>>, vector<16xf32>,
      %mul3A_328 = arith.constant 24 : i32
      %mul3A_329 = arith.muli %add3A_33, %mul3A_328 : i32
      %add3A_330 = vector.broadcast %mul3A_329 : i32 to vector<16xi32>
      %add3A_331 = arith.addi %add3A_330, %add3A_14 : vector<16xi32>
      %gather3A_332 = tpu.vector_load_idx %arg7[%add3A_331] : memref<672xf32, #tpu.memory_space<vmem>>[vector<16xi32>], vector<16xf32>,
      %mul3A_333 = arith.constant 12 : i32
      %mul3A_334 = arith.muli %add3A_33, %mul3A_333 : i32
      %add3A_335 = arith.constant 4 : i32
      %add3A_336 = arith.addi %mul3A_334, %add3A_335 : i32
      %add3A_337 = vector.broadcast %add3A_336 : i32 to vector<16xi32>
      %add3A_338 = arith.addi %add3A_337, %add3A_25 : vector<16xi32>
      %add3A_339 = arith.addf %gather3A_332, %get3A_327 : vector<16xf32>
      tpu.vector_store_idx %arg9[%add3A_338, %add3A_14], %add3A_339 : memref<336x24xf32, #tpu.memory_space<vmem>>[vector<16xi32>, vector<16xi32>], vector<16xf32>,
      %get3A_340 = arith.constant 144 : index
      %get3A_341 = tpu.vector_load %arg8[%get3A_340] {strides = array<i32>} : memref<288xf32, #tpu.memory_space<vmem>>, vector<16xf32>,
      %mul3A_342 = arith.constant 24 : i32
      %mul3A_343 = arith.muli %add3A_33, %mul3A_342 : i32
      %add3A_344 = vector.broadcast %mul3A_343 : i32 to vector<16xi32>
      %add3A_345 = arith.addi %add3A_344, %iota3A_4 : vector<16xi32>
      %gather3A_346 = tpu.vector_load_idx %arg7[%add3A_345] : memref<672xf32, #tpu.memory_space<vmem>>[vector<16xi32>], vector<16xf32>,
      %mul3A_347 = arith.constant 12 : i32
      %mul3A_348 = arith.muli %add3A_33, %mul3A_347 : i32
      %add3A_349 = arith.constant 6 : i32
      %add3A_350 = arith.addi %mul3A_348, %add3A_349 : i32
      %add3A_351 = vector.broadcast %add3A_350 : i32 to vector<16xi32>
      %add3A_352 = arith.addi %add3A_351, %mul3A_17 : vector<16xi32>
      %add3A_353 = arith.addf %gather3A_346, %get3A_341 : vector<16xf32>
      tpu.vector_store_idx %arg9[%add3A_352, %iota3A_4], %add3A_353 : memref<336x24xf32, #tpu.memory_space<vmem>>[vector<16xi32>, vector<16xi32>], vector<16xf32>,
      %get3A_354 = arith.constant 160 : index
      %get3A_355 = tpu.vector_load %arg8[%get3A_354] {strides = array<i32>} : memref<288xf32, #tpu.memory_space<vmem>>, vector<16xf32>,
      %mul3A_356 = arith.constant 24 : i32
      %mul3A_357 = arith.muli %add3A_33, %mul3A_356 : i32
      %add3A_358 = vector.broadcast %mul3A_357 : i32 to vector<16xi32>
      %add3A_359 = arith.addi %add3A_358, %select_n3A : vector<16xi32>
      %gather3A_360 = tpu.vector_load_idx %arg7[%add3A_359] : memref<672xf32, #tpu.memory_space<vmem>>[vector<16xi32>], vector<16xf32>,
      %mul3A_361 = arith.constant 12 : i32
      %mul3A_362 = arith.muli %add3A_33, %mul3A_361 : i32
      %add3A_363 = arith.constant 6 : i32
      %add3A_364 = arith.addi %mul3A_362, %add3A_363 : i32
      %add3A_365 = vector.broadcast %add3A_364 : i32 to vector<16xi32>
      %add3A_366 = arith.addi %add3A_365, %convert_element_type3A : vector<16xi32>
      %add3A_367 = arith.addf %gather3A_360, %get3A_355 : vector<16xf32>
      tpu.vector_store_idx %arg9[%add3A_366, %select_n3A], %add3A_367 : memref<336x24xf32, #tpu.memory_space<vmem>>[vector<16xi32>, vector<16xi32>], vector<16xf32>,
      %get3A_368 = arith.constant 176 : index
      %get3A_369 = tpu.vector_load %arg8[%get3A_368] {strides = array<i32>} : memref<288xf32, #tpu.memory_space<vmem>>, vector<16xf32>,
      %mul3A_370 = arith.constant 24 : i32
      %mul3A_371 = arith.muli %add3A_33, %mul3A_370 : i32
      %add3A_372 = vector.broadcast %mul3A_371 : i32 to vector<16xi32>
      %add3A_373 = arith.addi %add3A_372, %add3A_14 : vector<16xi32>
      %gather3A_374 = tpu.vector_load_idx %arg7[%add3A_373] : memref<672xf32, #tpu.memory_space<vmem>>[vector<16xi32>], vector<16xf32>,
      %mul3A_375 = arith.constant 12 : i32
      %mul3A_376 = arith.muli %add3A_33, %mul3A_375 : i32
      %add3A_377 = arith.constant 6 : i32
      %add3A_378 = arith.addi %mul3A_376, %add3A_377 : i32
      %add3A_379 = vector.broadcast %add3A_378 : i32 to vector<16xi32>
      %add3A_380 = arith.addi %add3A_379, %add3A_25 : vector<16xi32>
      %add3A_381 = arith.addf %gather3A_374, %get3A_369 : vector<16xf32>
      tpu.vector_store_idx %arg9[%add3A_380, %add3A_14], %add3A_381 : memref<336x24xf32, #tpu.memory_space<vmem>>[vector<16xi32>, vector<16xi32>], vector<16xf32>,
      %get3A_382 = arith.constant 192 : index
      %get3A_383 = tpu.vector_load %arg8[%get3A_382] {strides = array<i32>} : memref<288xf32, #tpu.memory_space<vmem>>, vector<16xf32>,
      %mul3A_384 = arith.constant 24 : i32
      %mul3A_385 = arith.muli %add3A_33, %mul3A_384 : i32
      %add3A_386 = vector.broadcast %mul3A_385 : i32 to vector<16xi32>
      %add3A_387 = arith.addi %add3A_386, %iota3A_4 : vector<16xi32>
      %gather3A_388 = tpu.vector_load_idx %arg7[%add3A_387] : memref<672xf32, #tpu.memory_space<vmem>>[vector<16xi32>], vector<16xf32>,
      %mul3A_389 = arith.constant 12 : i32
      %mul3A_390 = arith.muli %add3A_33, %mul3A_389 : i32
      %add3A_391 = arith.constant 8 : i32
      %add3A_392 = arith.addi %mul3A_390, %add3A_391 : i32
      %add3A_393 = vector.broadcast %add3A_392 : i32 to vector<16xi32>
      %add3A_394 = arith.addi %add3A_393, %mul3A_17 : vector<16xi32>
      %add3A_395 = arith.addf %gather3A_388, %get3A_383 : vector<16xf32>
      tpu.vector_store_idx %arg9[%add3A_394, %iota3A_4], %add3A_395 : memref<336x24xf32, #tpu.memory_space<vmem>>[vector<16xi32>, vector<16xi32>], vector<16xf32>,
      %get3A_396 = arith.constant 208 : index
      %get3A_397 = tpu.vector_load %arg8[%get3A_396] {strides = array<i32>} : memref<288xf32, #tpu.memory_space<vmem>>, vector<16xf32>,
      %mul3A_398 = arith.constant 24 : i32
      %mul3A_399 = arith.muli %add3A_33, %mul3A_398 : i32
      %add3A_400 = vector.broadcast %mul3A_399 : i32 to vector<16xi32>
      %add3A_401 = arith.addi %add3A_400, %select_n3A : vector<16xi32>
      %gather3A_402 = tpu.vector_load_idx %arg7[%add3A_401] : memref<672xf32, #tpu.memory_space<vmem>>[vector<16xi32>], vector<16xf32>,
      %mul3A_403 = arith.constant 12 : i32
      %mul3A_404 = arith.muli %add3A_33, %mul3A_403 : i32
      %add3A_405 = arith.constant 8 : i32
      %add3A_406 = arith.addi %mul3A_404, %add3A_405 : i32
      %add3A_407 = vector.broadcast %add3A_406 : i32 to vector<16xi32>
      %add3A_408 = arith.addi %add3A_407, %convert_element_type3A : vector<16xi32>
      %add3A_409 = arith.addf %gather3A_402, %get3A_397 : vector<16xf32>
      tpu.vector_store_idx %arg9[%add3A_408, %select_n3A], %add3A_409 : memref<336x24xf32, #tpu.memory_space<vmem>>[vector<16xi32>, vector<16xi32>], vector<16xf32>,
      %get3A_410 = arith.constant 224 : index
      %get3A_411 = tpu.vector_load %arg8[%get3A_410] {strides = array<i32>} : memref<288xf32, #tpu.memory_space<vmem>>, vector<16xf32>,
      %mul3A_412 = arith.constant 24 : i32
      %mul3A_413 = arith.muli %add3A_33, %mul3A_412 : i32
      %add3A_414 = vector.broadcast %mul3A_413 : i32 to vector<16xi32>
      %add3A_415 = arith.addi %add3A_414, %add3A_14 : vector<16xi32>
      %gather3A_416 = tpu.vector_load_idx %arg7[%add3A_415] : memref<672xf32, #tpu.memory_space<vmem>>[vector<16xi32>], vector<16xf32>,
      %mul3A_417 = arith.constant 12 : i32
      %mul3A_418 = arith.muli %add3A_33, %mul3A_417 : i32
      %add3A_419 = arith.constant 8 : i32
      %add3A_420 = arith.addi %mul3A_418, %add3A_419 : i32
      %add3A_421 = vector.broadcast %add3A_420 : i32 to vector<16xi32>
      %add3A_422 = arith.addi %add3A_421, %add3A_25 : vector<16xi32>
      %add3A_423 = arith.addf %gather3A_416, %get3A_411 : vector<16xf32>
      tpu.vector_store_idx %arg9[%add3A_422, %add3A_14], %add3A_423 : memref<336x24xf32, #tpu.memory_space<vmem>>[vector<16xi32>, vector<16xi32>], vector<16xf32>,
      %get3A_424 = arith.constant 240 : index
      %get3A_425 = tpu.vector_load %arg8[%get3A_424] {strides = array<i32>} : memref<288xf32, #tpu.memory_space<vmem>>, vector<16xf32>,
      %mul3A_426 = arith.constant 24 : i32
      %mul3A_427 = arith.muli %add3A_33, %mul3A_426 : i32
      %add3A_428 = vector.broadcast %mul3A_427 : i32 to vector<16xi32>
      %add3A_429 = arith.addi %add3A_428, %iota3A_4 : vector<16xi32>
      %gather3A_430 = tpu.vector_load_idx %arg7[%add3A_429] : memref<672xf32, #tpu.memory_space<vmem>>[vector<16xi32>], vector<16xf32>,
      %mul3A_431 = arith.constant 12 : i32
      %mul3A_432 = arith.muli %add3A_33, %mul3A_431 : i32
      %add3A_433 = arith.constant 10 : i32
      %add3A_434 = arith.addi %mul3A_432, %add3A_433 : i32
      %add3A_435 = vector.broadcast %add3A_434 : i32 to vector<16xi32>
      %add3A_436 = arith.addi %add3A_435, %mul3A_17 : vector<16xi32>
      %add3A_437 = arith.addf %gather3A_430, %get3A_425 : vector<16xf32>
      tpu.vector_store_idx %arg9[%add3A_436, %iota3A_4], %add3A_437 : memref<336x24xf32, #tpu.memory_space<vmem>>[vector<16xi32>, vector<16xi32>], vector<16xf32>,
      %get3A_438 = arith.constant 256 : index
      %get3A_439 = tpu.vector_load %arg8[%get3A_438] {strides = array<i32>} : memref<288xf32, #tpu.memory_space<vmem>>, vector<16xf32>,
      %mul3A_440 = arith.constant 24 : i32
      %mul3A_441 = arith.muli %add3A_33, %mul3A_440 : i32
      %add3A_442 = vector.broadcast %mul3A_441 : i32 to vector<16xi32>
      %add3A_443 = arith.addi %add3A_442, %select_n3A : vector<16xi32>
      %gather3A_444 = tpu.vector_load_idx %arg7[%add3A_443] : memref<672xf32, #tpu.memory_space<vmem>>[vector<16xi32>], vector<16xf32>,
      %mul3A_445 = arith.constant 12 : i32
      %mul3A_446 = arith.muli %add3A_33, %mul3A_445 : i32
      %add3A_447 = arith.constant 10 : i32
      %add3A_448 = arith.addi %mul3A_446, %add3A_447 : i32
      %add3A_449 = vector.broadcast %add3A_448 : i32 to vector<16xi32>
      %add3A_450 = arith.addi %add3A_449, %convert_element_type3A : vector<16xi32>
      %add3A_451 = arith.addf %gather3A_444, %get3A_439 : vector<16xf32>
      tpu.vector_store_idx %arg9[%add3A_450, %select_n3A], %add3A_451 : memref<336x24xf32, #tpu.memory_space<vmem>>[vector<16xi32>, vector<16xi32>], vector<16xf32>,
      %get3A_452 = arith.constant 272 : index
      %get3A_453 = tpu.vector_load %arg8[%get3A_452] {strides = array<i32>} : memref<288xf32, #tpu.memory_space<vmem>>, vector<16xf32>,
      %mul3A_454 = arith.constant 24 : i32
      %mul3A_455 = arith.muli %add3A_33, %mul3A_454 : i32
      %add3A_456 = vector.broadcast %mul3A_455 : i32 to vector<16xi32>
      %add3A_457 = arith.addi %add3A_456, %add3A_14 : vector<16xi32>
      %gather3A_458 = tpu.vector_load_idx %arg7[%add3A_457] : memref<672xf32, #tpu.memory_space<vmem>>[vector<16xi32>], vector<16xf32>,
      %mul3A_459 = arith.constant 12 : i32
      %mul3A_460 = arith.muli %add3A_33, %mul3A_459 : i32
      %add3A_461 = arith.constant 10 : i32
      %add3A_462 = arith.addi %mul3A_460, %add3A_461 : i32
      %add3A_463 = vector.broadcast %add3A_462 : i32 to vector<16xi32>
      %add3A_464 = arith.addi %add3A_463, %add3A_25 : vector<16xi32>
      %add3A_465 = arith.addf %gather3A_458, %get3A_453 : vector<16xf32>
      tpu.vector_store_idx %arg9[%add3A_464, %add3A_14], %add3A_465 : memref<336x24xf32, #tpu.memory_space<vmem>>[vector<16xi32>, vector<16xi32>], vector<16xf32>,
      %mul3A_466 = arith.constant 12 : i32
      %mul3A_467 = arith.muli %add3A_33, %mul3A_466 : i32
      %mul3A_468 = arith.constant 12 : i32
      %mul3A_469 = arith.muli %add3A_33, %mul3A_468 : i32
      "tpu.region"() ({
        %run_scoped3A = tpu.sem_alloc : memref<!tpu.dma_semaphore, #tpu.memory_space<semaphore_mem>>
        %dma_start3A_470 = arith.constant 0 : i32
        %dma_start3A_471 = tpu.memref_slice %arg9[%mul3A_467, %dma_start3A_470] : memref<336x24xf32, #tpu.memory_space<vmem>> -> memref<12x24xf32, #tpu.memory_space<vmem>>
        %dma_start3A_472 = arith.constant 0 : i32
        %dma_start3A_473 = tpu.memref_slice %arg12[%mul3A_469, %dma_start3A_472] : memref<336x24xf32, #tpu.memory_space<vmem_shared>> -> memref<12x24xf32, #tpu.memory_space<vmem_shared>>
        %dma_start3A_474 = arith.constant 0 : i32
        %dma_start3A_475 = tpu.memref_slice %arg12[%mul3A_469, %dma_start3A_474] : memref<336x24xf32, #tpu.memory_space<vmem_shared>> -> memref<12x24xf32, #tpu.memory_space<vmem_shared>>
        %dma_start3A_476 = arith.constant 0 : i32
        %dma_start3A_477 = tpu.memref_slice %arg9[%mul3A_467, %dma_start3A_476] : memref<336x24xf32, #tpu.memory_space<vmem>> -> memref<12x24xf32, #tpu.memory_space<vmem>>
        tpu.enqueue_dma source(%dma_start3A_477 : memref<12x24xf32, #tpu.memory_space<vmem>>) target(%dma_start3A_475 : memref<12x24xf32, #tpu.memory_space<vmem_shared>>) target_semaphore(%run_scoped3A : memref<!tpu.dma_semaphore, #tpu.memory_space<semaphore_mem>>)
        %dma_wait3A_478 = arith.constant 0 : i32
        %dma_wait3A_479 = tpu.memref_slice %arg9[%mul3A_467, %dma_wait3A_478] : memref<336x24xf32, #tpu.memory_space<vmem>> -> memref<12x24xf32, #tpu.memory_space<vmem>>
        %dma_wait3A_480 = arith.constant 0 : i32
        %dma_wait3A_481 = tpu.memref_slice %arg12[%mul3A_469, %dma_wait3A_480] : memref<336x24xf32, #tpu.memory_space<vmem_shared>> -> memref<12x24xf32, #tpu.memory_space<vmem_shared>>
        %dma_wait3A_482 = arith.constant 0 : i32
        %dma_wait3A_483 = tpu.memref_slice %arg12[%mul3A_469, %dma_wait3A_482] : memref<336x24xf32, #tpu.memory_space<vmem_shared>> -> memref<12x24xf32, #tpu.memory_space<vmem_shared>>
        %dma_wait3A_484 = arith.constant 0 : i32
        %dma_wait3A_485 = tpu.memref_slice %arg9[%mul3A_467, %dma_wait3A_484] : memref<336x24xf32, #tpu.memory_space<vmem>> -> memref<12x24xf32, #tpu.memory_space<vmem>>
        tpu.wait_dma2 semaphore(%run_scoped3A : memref<!tpu.dma_semaphore, #tpu.memory_space<semaphore_mem>>) src(%dma_wait3A_485 : memref<12x24xf32, #tpu.memory_space<vmem>>) dst(%dma_wait3A_483 : memref<12x24xf32, #tpu.memory_space<vmem_shared>>)
        tpu.yield
      }) : () -> ()
    } else {
    }
    %dma_wait3A = tpu.memref_slice %arg2[%mul3A_2] : memref<196608xi32, #tpu.memory_space<hbm>> -> memref<6144xi32, #tpu.memory_space<hbm>>
    %dma_wait3A_39 = tpu.memref_slice %arg2[%mul3A_2] : memref<196608xi32, #tpu.memory_space<hbm>> -> memref<6144xi32, #tpu.memory_space<hbm>>
    tpu.wait_dma2 semaphore(%arg15 : memref<!tpu.dma_semaphore, #tpu.memory_space<semaphore_mem>>) src(%dma_wait3A_39 : memref<6144xi32, #tpu.memory_space<hbm>>) dst(%arg6 : memref<6144xi32, #tpu.memory_space<vmem>>)
    %iota3A_40 = tpu.iota {dimensions = array<i32: 0>} : vector<16xi32>
    %ge3A_41 = arith.constant 12 : i32
    %ge3A_42 = vector.broadcast %ge3A_41 : i32 to vector<16xi32>
    %ge3A_43 = arith.cmpi sge, %iota3A_40, %ge3A_42 : vector<16xi32>
    %sub3A_44 = arith.constant 12 : i32
    %sub3A_45 = vector.broadcast %sub3A_44 : i32 to vector<16xi32>
    %sub3A_46 = arith.subi %iota3A_40, %sub3A_45 : vector<16xi32>
    %select_n3A_47 = arith.select %ge3A_43, %sub3A_46, %iota3A_40 : vector<16xi1>, vector<16xi32>
    %ge3A_48 = arith.constant 8 : i32
    %ge3A_49 = vector.broadcast %ge3A_48 : i32 to vector<16xi32>
    %ge3A_50 = arith.cmpi sge, %iota3A_40, %ge3A_49 : vector<16xi32>
    %sub3A_51 = arith.constant 8 : i32
    %sub3A_52 = vector.broadcast %sub3A_51 : i32 to vector<16xi32>
    %sub3A_53 = arith.subi %iota3A_40, %sub3A_52 : vector<16xi32>
    %add3A_54 = arith.constant 4 : i32
    %add3A_55 = vector.broadcast %add3A_54 : i32 to vector<16xi32>
    %add3A_56 = arith.addi %iota3A_40, %add3A_55 : vector<16xi32>
    %select_n3A_57 = arith.select %ge3A_50, %sub3A_53, %add3A_56 : vector<16xi1>, vector<16xi32>
    %ge3A_58 = arith.constant 4 : i32
    %ge3A_59 = vector.broadcast %ge3A_58 : i32 to vector<16xi32>
    %ge3A_60 = arith.cmpi sge, %iota3A_40, %ge3A_59 : vector<16xi32>
    %sub3A_61 = arith.constant 4 : i32
    %sub3A_62 = vector.broadcast %sub3A_61 : i32 to vector<16xi32>
    %sub3A_63 = arith.subi %iota3A_40, %sub3A_62 : vector<16xi32>
    %add3A_64 = arith.constant 8 : i32
    %add3A_65 = vector.broadcast %add3A_64 : i32 to vector<16xi32>
    %add3A_66 = arith.addi %iota3A_40, %add3A_65 : vector<16xi32>
    %select_n3A_67 = arith.select %ge3A_60, %sub3A_63, %add3A_66 : vector<16xi1>, vector<16xi32>
    %scan3A = arith.constant 0 : i32
    %scan3A_68 = arith.constant 128 : i32
    %scan3A_69 = arith.addi %scan3A, %scan3A_68 : i32
    %scan3A_70 = arith.constant 1 : i32
    scf.for %scan3A_216 = %scan3A to %scan3A_69 step %scan3A_70  : i32 {
      %mul3A_217 = arith.constant 3 : i32
      %mul3A_218 = arith.muli %mul3A_217, %scan3A_216 : i32
      %add3A_219 = arith.constant 0 : i32
      %add3A_220 = arith.addi %mul3A_218, %add3A_219 : i32
      %mul3A_221 = arith.constant 16 : i32
      %mul3A_222 = arith.muli %add3A_220, %mul3A_221 : i32
      %get3A = arith.index_cast %mul3A_222 : i32 to index
      %get3A_223 = tpu.vector_load %arg6[%get3A] {strides = array<i32>} : memref<6144xi32, #tpu.memory_space<vmem>>, vector<16xi32>,
      %mul3A_224 = arith.constant 12 : i32
      %mul3A_225 = vector.broadcast %mul3A_224 : i32 to vector<16xi32>
      %mul3A_226 = arith.muli %get3A_223, %mul3A_225 : vector<16xi32>
      %add3A_227 = arith.addi %mul3A_226, %select_n3A_47 : vector<16xi32>
      %mul3A_228 = arith.constant 3 : i32
      %mul3A_229 = arith.muli %mul3A_228, %scan3A_216 : i32
      %add3A_230 = arith.constant 0 : i32
      %add3A_231 = arith.addi %mul3A_229, %add3A_230 : i32
      %mul3A_232 = arith.constant 16 : i32
      %mul3A_233 = arith.muli %add3A_231, %mul3A_232 : i32
      %swap3A = arith.index_cast %mul3A_233 : i32 to index
      %swap3A_234 = tpu.vector_load %arg10[%swap3A] {strides = array<i32>} : memref<6144xi32, #tpu.memory_space<vmem>>, vector<16xi32>,
      tpu.vector_store %arg10[%swap3A], %add3A_227 {strides = array<i32>} : memref<6144xi32, #tpu.memory_space<vmem>>, vector<16xi32>,
      %mul3A_235 = arith.constant 3 : i32
      %mul3A_236 = arith.muli %mul3A_235, %scan3A_216 : i32
      %add3A_237 = arith.constant 1 : i32
      %add3A_238 = arith.addi %mul3A_236, %add3A_237 : i32
      %mul3A_239 = arith.constant 16 : i32
      %mul3A_240 = arith.muli %add3A_238, %mul3A_239 : i32
      %get3A_241 = arith.index_cast %mul3A_240 : i32 to index
      %get3A_242 = tpu.vector_load %arg6[%get3A_241] {strides = array<i32>} : memref<6144xi32, #tpu.memory_space<vmem>>, vector<16xi32>,
      %mul3A_243 = arith.constant 12 : i32
      %mul3A_244 = vector.broadcast %mul3A_243 : i32 to vector<16xi32>
      %mul3A_245 = arith.muli %get3A_242, %mul3A_244 : vector<16xi32>
      %add3A_246 = arith.addi %mul3A_245, %select_n3A_57 : vector<16xi32>
      %mul3A_247 = arith.constant 3 : i32
      %mul3A_248 = arith.muli %mul3A_247, %scan3A_216 : i32
      %add3A_249 = arith.constant 1 : i32
      %add3A_250 = arith.addi %mul3A_248, %add3A_249 : i32
      %mul3A_251 = arith.constant 16 : i32
      %mul3A_252 = arith.muli %add3A_250, %mul3A_251 : i32
      %swap3A_253 = arith.index_cast %mul3A_252 : i32 to index
      %swap3A_254 = tpu.vector_load %arg10[%swap3A_253] {strides = array<i32>} : memref<6144xi32, #tpu.memory_space<vmem>>, vector<16xi32>,
      tpu.vector_store %arg10[%swap3A_253], %add3A_246 {strides = array<i32>} : memref<6144xi32, #tpu.memory_space<vmem>>, vector<16xi32>,
      %mul3A_255 = arith.constant 3 : i32
      %mul3A_256 = arith.muli %mul3A_255, %scan3A_216 : i32
      %add3A_257 = arith.constant 2 : i32
      %add3A_258 = arith.addi %mul3A_256, %add3A_257 : i32
      %mul3A_259 = arith.constant 16 : i32
      %mul3A_260 = arith.muli %add3A_258, %mul3A_259 : i32
      %get3A_261 = arith.index_cast %mul3A_260 : i32 to index
      %get3A_262 = tpu.vector_load %arg6[%get3A_261] {strides = array<i32>} : memref<6144xi32, #tpu.memory_space<vmem>>, vector<16xi32>,
      %mul3A_263 = arith.constant 12 : i32
      %mul3A_264 = vector.broadcast %mul3A_263 : i32 to vector<16xi32>
      %mul3A_265 = arith.muli %get3A_262, %mul3A_264 : vector<16xi32>
      %add3A_266 = arith.addi %mul3A_265, %select_n3A_67 : vector<16xi32>
      %mul3A_267 = arith.constant 3 : i32
      %mul3A_268 = arith.muli %mul3A_267, %scan3A_216 : i32
      %add3A_269 = arith.constant 2 : i32
      %add3A_270 = arith.addi %mul3A_268, %add3A_269 : i32
      %mul3A_271 = arith.constant 16 : i32
      %mul3A_272 = arith.muli %add3A_270, %mul3A_271 : i32
      %swap3A_273 = arith.index_cast %mul3A_272 : i32 to index
      %swap3A_274 = tpu.vector_load %arg10[%swap3A_273] {strides = array<i32>} : memref<6144xi32, #tpu.memory_space<vmem>>, vector<16xi32>,
      tpu.vector_store %arg10[%swap3A_273], %add3A_266 {strides = array<i32>} : memref<6144xi32, #tpu.memory_space<vmem>>, vector<16xi32>,
    }
    %scan3A_71 = arith.constant 128 : i32
    %barrier3A = arith.constant 0 : index
    tpu.barrier barrier_id(%barrier3A)
    %dma_start3A_72 = arith.constant 0 : i32
    %dma_start3A_73 = arith.constant 0 : i32
    %dma_start3A_74 = arith.constant 0 : i32
    %dma_start3A_75 = tpu.memref_slice %arg11[%dma_start3A_72, %dma_start3A_73, %dma_start3A_74] : memref<2x2048x24xf32, #tpu.memory_space<vmem>> -> memref<1x2048x24xf32, #tpu.memory_space<vmem>>
    %dma_start3A_76 = tpu.memref_squeeze %dma_start3A_75 : memref<1x2048x24xf32, #tpu.memory_space<vmem>> -> memref<2048x24xf32, #tpu.memory_space<vmem>>
    %dma_start3A_77 = arith.constant 0 : i32
    %dma_start3A_78 = tpu.memref_slice %arg10[%dma_start3A_77] : memref<6144xi32, #tpu.memory_space<vmem>> -> memref<2048xi32, #tpu.memory_space<vmem>>
    %dma_start3A_79 = arith.constant 0 : i32
    %dma_start3A_80 = arith.constant 0 : i32
    %dma_start3A_81 = tpu.memref_slice %arg12[%dma_start3A_79, %dma_start3A_80] : memref<336x24xf32, #tpu.memory_space<vmem_shared>> -> memref<336x24xf32, #tpu.memory_space<vmem_shared>>
    tpu.enqueue_indirect_dma source(%dma_start3A_81 : memref<336x24xf32, #tpu.memory_space<vmem_shared>>) target(%dma_start3A_76 : memref<2048x24xf32, #tpu.memory_space<vmem>>) offsets(%dma_start3A_78 : memref<2048xi32, #tpu.memory_space<vmem>>) semaphore(%arg13 : memref<!tpu.dma_semaphore, #tpu.memory_space<semaphore_mem>>)
    %dma_wait3A_82 = arith.constant 0 : i32
    %dma_wait3A_83 = arith.constant 0 : i32
    %dma_wait3A_84 = arith.constant 0 : i32
    %dma_wait3A_85 = tpu.memref_slice %arg11[%dma_wait3A_82, %dma_wait3A_83, %dma_wait3A_84] : memref<2x2048x24xf32, #tpu.memory_space<vmem>> -> memref<1x2048x24xf32, #tpu.memory_space<vmem>>
    %dma_wait3A_86 = tpu.memref_squeeze %dma_wait3A_85 : memref<1x2048x24xf32, #tpu.memory_space<vmem>> -> memref<2048x24xf32, #tpu.memory_space<vmem>>
    %dma_wait3A_87 = arith.constant 0 : i32
    %dma_wait3A_88 = tpu.memref_slice %arg10[%dma_wait3A_87] : memref<6144xi32, #tpu.memory_space<vmem>> -> memref<2048xi32, #tpu.memory_space<vmem>>
    %dma_wait3A_89 = arith.constant 0 : i32
    %dma_wait3A_90 = arith.constant 0 : i32
    %dma_wait3A_91 = tpu.memref_slice %arg12[%dma_wait3A_89, %dma_wait3A_90] : memref<336x24xf32, #tpu.memory_space<vmem_shared>> -> memref<336x24xf32, #tpu.memory_space<vmem_shared>>
    tpu.wait_indirect_dma semaphore(%arg13 : memref<!tpu.dma_semaphore, #tpu.memory_space<semaphore_mem>>) src(%dma_wait3A_91 : memref<336x24xf32, #tpu.memory_space<vmem_shared>>) dst(%dma_wait3A_86 : memref<2048x24xf32, #tpu.memory_space<vmem>>)
    %add3A_92 = arith.constant 0 : i32
    %add3A_93 = arith.addi %mul3A_2, %add3A_92 : i32
    %dma_start3A_94 = arith.constant 0 : i32
    %dma_start3A_95 = arith.constant 0 : i32
    %dma_start3A_96 = arith.constant 0 : i32
    %dma_start3A_97 = tpu.memref_slice %arg11[%dma_start3A_94, %dma_start3A_95, %dma_start3A_96] : memref<2x2048x24xf32, #tpu.memory_space<vmem>> -> memref<1x2048x24xf32, #tpu.memory_space<vmem>>
    %dma_start3A_98 = tpu.memref_squeeze %dma_start3A_97 : memref<1x2048x24xf32, #tpu.memory_space<vmem>> -> memref<2048x24xf32, #tpu.memory_space<vmem>>
    %dma_start3A_99 = arith.constant 0 : i32
    %dma_start3A_100 = tpu.memref_slice %arg5[%add3A_93, %dma_start3A_99] : memref<196608x24xf32, #tpu.memory_space<hbm>> -> memref<2048x24xf32, #tpu.memory_space<hbm>>
    %dma_start3A_101 = arith.constant 0 : i32
    %dma_start3A_102 = tpu.memref_slice %arg5[%add3A_93, %dma_start3A_101] : memref<196608x24xf32, #tpu.memory_space<hbm>> -> memref<2048x24xf32, #tpu.memory_space<hbm>>
    %dma_start3A_103 = arith.constant 0 : i32
    %dma_start3A_104 = arith.constant 0 : i32
    %dma_start3A_105 = tpu.memref_slice %arg11[%dma_start3A_94, %dma_start3A_103, %dma_start3A_104] : memref<2x2048x24xf32, #tpu.memory_space<vmem>> -> memref<1x2048x24xf32, #tpu.memory_space<vmem>>
    %dma_start3A_106 = tpu.memref_squeeze %dma_start3A_105 : memref<1x2048x24xf32, #tpu.memory_space<vmem>> -> memref<2048x24xf32, #tpu.memory_space<vmem>>
    tpu.enqueue_dma source(%dma_start3A_106 : memref<2048x24xf32, #tpu.memory_space<vmem>>) target(%dma_start3A_102 : memref<2048x24xf32, #tpu.memory_space<hbm>>) target_semaphore(%arg14 : memref<!tpu.dma_semaphore, #tpu.memory_space<semaphore_mem>>)
    %dma_start3A_107 = arith.constant 1 : i32
    %dma_start3A_108 = arith.constant 0 : i32
    %dma_start3A_109 = arith.constant 0 : i32
    %dma_start3A_110 = tpu.memref_slice %arg11[%dma_start3A_107, %dma_start3A_108, %dma_start3A_109] : memref<2x2048x24xf32, #tpu.memory_space<vmem>> -> memref<1x2048x24xf32, #tpu.memory_space<vmem>>
    %dma_start3A_111 = tpu.memref_squeeze %dma_start3A_110 : memref<1x2048x24xf32, #tpu.memory_space<vmem>> -> memref<2048x24xf32, #tpu.memory_space<vmem>>
    %dma_start3A_112 = arith.constant 2048 : i32
    %dma_start3A_113 = tpu.memref_slice %arg10[%dma_start3A_112] : memref<6144xi32, #tpu.memory_space<vmem>> -> memref<2048xi32, #tpu.memory_space<vmem>>
    %dma_start3A_114 = arith.constant 0 : i32
    %dma_start3A_115 = arith.constant 0 : i32
    %dma_start3A_116 = tpu.memref_slice %arg12[%dma_start3A_114, %dma_start3A_115] : memref<336x24xf32, #tpu.memory_space<vmem_shared>> -> memref<336x24xf32, #tpu.memory_space<vmem_shared>>
    tpu.enqueue_indirect_dma source(%dma_start3A_116 : memref<336x24xf32, #tpu.memory_space<vmem_shared>>) target(%dma_start3A_111 : memref<2048x24xf32, #tpu.memory_space<vmem>>) offsets(%dma_start3A_113 : memref<2048xi32, #tpu.memory_space<vmem>>) semaphore(%arg13 : memref<!tpu.dma_semaphore, #tpu.memory_space<semaphore_mem>>)
    %dma_wait3A_117 = arith.constant 1 : i32
    %dma_wait3A_118 = arith.constant 0 : i32
    %dma_wait3A_119 = arith.constant 0 : i32
    %dma_wait3A_120 = tpu.memref_slice %arg11[%dma_wait3A_117, %dma_wait3A_118, %dma_wait3A_119] : memref<2x2048x24xf32, #tpu.memory_space<vmem>> -> memref<1x2048x24xf32, #tpu.memory_space<vmem>>
    %dma_wait3A_121 = tpu.memref_squeeze %dma_wait3A_120 : memref<1x2048x24xf32, #tpu.memory_space<vmem>> -> memref<2048x24xf32, #tpu.memory_space<vmem>>
    %dma_wait3A_122 = arith.constant 2048 : i32
    %dma_wait3A_123 = tpu.memref_slice %arg10[%dma_wait3A_122] : memref<6144xi32, #tpu.memory_space<vmem>> -> memref<2048xi32, #tpu.memory_space<vmem>>
    %dma_wait3A_124 = arith.constant 0 : i32
    %dma_wait3A_125 = arith.constant 0 : i32
    %dma_wait3A_126 = tpu.memref_slice %arg12[%dma_wait3A_124, %dma_wait3A_125] : memref<336x24xf32, #tpu.memory_space<vmem_shared>> -> memref<336x24xf32, #tpu.memory_space<vmem_shared>>
    tpu.wait_indirect_dma semaphore(%arg13 : memref<!tpu.dma_semaphore, #tpu.memory_space<semaphore_mem>>) src(%dma_wait3A_126 : memref<336x24xf32, #tpu.memory_space<vmem_shared>>) dst(%dma_wait3A_121 : memref<2048x24xf32, #tpu.memory_space<vmem>>)
    %add3A_127 = arith.constant 2048 : i32
    %add3A_128 = arith.addi %mul3A_2, %add3A_127 : i32
    %dma_start3A_129 = arith.constant 1 : i32
    %dma_start3A_130 = arith.constant 0 : i32
    %dma_start3A_131 = arith.constant 0 : i32
    %dma_start3A_132 = tpu.memref_slice %arg11[%dma_start3A_129, %dma_start3A_130, %dma_start3A_131] : memref<2x2048x24xf32, #tpu.memory_space<vmem>> -> memref<1x2048x24xf32, #tpu.memory_space<vmem>>
    %dma_start3A_133 = tpu.memref_squeeze %dma_start3A_132 : memref<1x2048x24xf32, #tpu.memory_space<vmem>> -> memref<2048x24xf32, #tpu.memory_space<vmem>>
    %dma_start3A_134 = arith.constant 0 : i32
    %dma_start3A_135 = tpu.memref_slice %arg5[%add3A_128, %dma_start3A_134] : memref<196608x24xf32, #tpu.memory_space<hbm>> -> memref<2048x24xf32, #tpu.memory_space<hbm>>
    %dma_start3A_136 = arith.constant 0 : i32
    %dma_start3A_137 = tpu.memref_slice %arg5[%add3A_128, %dma_start3A_136] : memref<196608x24xf32, #tpu.memory_space<hbm>> -> memref<2048x24xf32, #tpu.memory_space<hbm>>
    %dma_start3A_138 = arith.constant 0 : i32
    %dma_start3A_139 = arith.constant 0 : i32
    %dma_start3A_140 = tpu.memref_slice %arg11[%dma_start3A_129, %dma_start3A_138, %dma_start3A_139] : memref<2x2048x24xf32, #tpu.memory_space<vmem>> -> memref<1x2048x24xf32, #tpu.memory_space<vmem>>
    %dma_start3A_141 = tpu.memref_squeeze %dma_start3A_140 : memref<1x2048x24xf32, #tpu.memory_space<vmem>> -> memref<2048x24xf32, #tpu.memory_space<vmem>>
    tpu.enqueue_dma source(%dma_start3A_141 : memref<2048x24xf32, #tpu.memory_space<vmem>>) target(%dma_start3A_137 : memref<2048x24xf32, #tpu.memory_space<hbm>>) target_semaphore(%arg14 : memref<!tpu.dma_semaphore, #tpu.memory_space<semaphore_mem>>)
    %dma_wait3A_142 = arith.constant 0 : i32
    %dma_wait3A_143 = arith.constant 0 : i32
    %dma_wait3A_144 = arith.constant 0 : i32
    %dma_wait3A_145 = tpu.memref_slice %arg11[%dma_wait3A_142, %dma_wait3A_143, %dma_wait3A_144] : memref<2x2048x24xf32, #tpu.memory_space<vmem>> -> memref<1x2048x24xf32, #tpu.memory_space<vmem>>
    %dma_wait3A_146 = tpu.memref_squeeze %dma_wait3A_145 : memref<1x2048x24xf32, #tpu.memory_space<vmem>> -> memref<2048x24xf32, #tpu.memory_space<vmem>>
    %dma_wait3A_147 = arith.constant 0 : i32
    %dma_wait3A_148 = tpu.memref_slice %arg5[%add3A_93, %dma_wait3A_147] : memref<196608x24xf32, #tpu.memory_space<hbm>> -> memref<2048x24xf32, #tpu.memory_space<hbm>>
    %dma_wait3A_149 = arith.constant 0 : i32
    %dma_wait3A_150 = tpu.memref_slice %arg5[%add3A_93, %dma_wait3A_149] : memref<196608x24xf32, #tpu.memory_space<hbm>> -> memref<2048x24xf32, #tpu.memory_space<hbm>>
    %dma_wait3A_151 = arith.constant 0 : i32
    %dma_wait3A_152 = arith.constant 0 : i32
    %dma_wait3A_153 = tpu.memref_slice %arg11[%dma_wait3A_142, %dma_wait3A_151, %dma_wait3A_152] : memref<2x2048x24xf32, #tpu.memory_space<vmem>> -> memref<1x2048x24xf32, #tpu.memory_space<vmem>>
    %dma_wait3A_154 = tpu.memref_squeeze %dma_wait3A_153 : memref<1x2048x24xf32, #tpu.memory_space<vmem>> -> memref<2048x24xf32, #tpu.memory_space<vmem>>
    tpu.wait_dma2 semaphore(%arg14 : memref<!tpu.dma_semaphore, #tpu.memory_space<semaphore_mem>>) src(%dma_wait3A_154 : memref<2048x24xf32, #tpu.memory_space<vmem>>) dst(%dma_wait3A_150 : memref<2048x24xf32, #tpu.memory_space<hbm>>)
    %dma_start3A_155 = arith.constant 0 : i32
    %dma_start3A_156 = arith.constant 0 : i32
    %dma_start3A_157 = arith.constant 0 : i32
    %dma_start3A_158 = tpu.memref_slice %arg11[%dma_start3A_155, %dma_start3A_156, %dma_start3A_157] : memref<2x2048x24xf32, #tpu.memory_space<vmem>> -> memref<1x2048x24xf32, #tpu.memory_space<vmem>>
    %dma_start3A_159 = tpu.memref_squeeze %dma_start3A_158 : memref<1x2048x24xf32, #tpu.memory_space<vmem>> -> memref<2048x24xf32, #tpu.memory_space<vmem>>
    %dma_start3A_160 = arith.constant 4096 : i32
    %dma_start3A_161 = tpu.memref_slice %arg10[%dma_start3A_160] : memref<6144xi32, #tpu.memory_space<vmem>> -> memref<2048xi32, #tpu.memory_space<vmem>>
    %dma_start3A_162 = arith.constant 0 : i32
    %dma_start3A_163 = arith.constant 0 : i32
    %dma_start3A_164 = tpu.memref_slice %arg12[%dma_start3A_162, %dma_start3A_163] : memref<336x24xf32, #tpu.memory_space<vmem_shared>> -> memref<336x24xf32, #tpu.memory_space<vmem_shared>>
    tpu.enqueue_indirect_dma source(%dma_start3A_164 : memref<336x24xf32, #tpu.memory_space<vmem_shared>>) target(%dma_start3A_159 : memref<2048x24xf32, #tpu.memory_space<vmem>>) offsets(%dma_start3A_161 : memref<2048xi32, #tpu.memory_space<vmem>>) semaphore(%arg13 : memref<!tpu.dma_semaphore, #tpu.memory_space<semaphore_mem>>)
    %dma_wait3A_165 = arith.constant 0 : i32
    %dma_wait3A_166 = arith.constant 0 : i32
    %dma_wait3A_167 = arith.constant 0 : i32
    %dma_wait3A_168 = tpu.memref_slice %arg11[%dma_wait3A_165, %dma_wait3A_166, %dma_wait3A_167] : memref<2x2048x24xf32, #tpu.memory_space<vmem>> -> memref<1x2048x24xf32, #tpu.memory_space<vmem>>
    %dma_wait3A_169 = tpu.memref_squeeze %dma_wait3A_168 : memref<1x2048x24xf32, #tpu.memory_space<vmem>> -> memref<2048x24xf32, #tpu.memory_space<vmem>>
    %dma_wait3A_170 = arith.constant 4096 : i32
    %dma_wait3A_171 = tpu.memref_slice %arg10[%dma_wait3A_170] : memref<6144xi32, #tpu.memory_space<vmem>> -> memref<2048xi32, #tpu.memory_space<vmem>>
    %dma_wait3A_172 = arith.constant 0 : i32
    %dma_wait3A_173 = arith.constant 0 : i32
    %dma_wait3A_174 = tpu.memref_slice %arg12[%dma_wait3A_172, %dma_wait3A_173] : memref<336x24xf32, #tpu.memory_space<vmem_shared>> -> memref<336x24xf32, #tpu.memory_space<vmem_shared>>
    tpu.wait_indirect_dma semaphore(%arg13 : memref<!tpu.dma_semaphore, #tpu.memory_space<semaphore_mem>>) src(%dma_wait3A_174 : memref<336x24xf32, #tpu.memory_space<vmem_shared>>) dst(%dma_wait3A_169 : memref<2048x24xf32, #tpu.memory_space<vmem>>)
    %add3A_175 = arith.constant 4096 : i32
    %add3A_176 = arith.addi %mul3A_2, %add3A_175 : i32
    %dma_start3A_177 = arith.constant 0 : i32
    %dma_start3A_178 = arith.constant 0 : i32
    %dma_start3A_179 = arith.constant 0 : i32
    %dma_start3A_180 = tpu.memref_slice %arg11[%dma_start3A_177, %dma_start3A_178, %dma_start3A_179] : memref<2x2048x24xf32, #tpu.memory_space<vmem>> -> memref<1x2048x24xf32, #tpu.memory_space<vmem>>
    %dma_start3A_181 = tpu.memref_squeeze %dma_start3A_180 : memref<1x2048x24xf32, #tpu.memory_space<vmem>> -> memref<2048x24xf32, #tpu.memory_space<vmem>>
    %dma_start3A_182 = arith.constant 0 : i32
    %dma_start3A_183 = tpu.memref_slice %arg5[%add3A_176, %dma_start3A_182] : memref<196608x24xf32, #tpu.memory_space<hbm>> -> memref<2048x24xf32, #tpu.memory_space<hbm>>
    %dma_start3A_184 = arith.constant 0 : i32
    %dma_start3A_185 = tpu.memref_slice %arg5[%add3A_176, %dma_start3A_184] : memref<196608x24xf32, #tpu.memory_space<hbm>> -> memref<2048x24xf32, #tpu.memory_space<hbm>>
    %dma_start3A_186 = arith.constant 0 : i32
    %dma_start3A_187 = arith.constant 0 : i32
    %dma_start3A_188 = tpu.memref_slice %arg11[%dma_start3A_177, %dma_start3A_186, %dma_start3A_187] : memref<2x2048x24xf32, #tpu.memory_space<vmem>> -> memref<1x2048x24xf32, #tpu.memory_space<vmem>>
    %dma_start3A_189 = tpu.memref_squeeze %dma_start3A_188 : memref<1x2048x24xf32, #tpu.memory_space<vmem>> -> memref<2048x24xf32, #tpu.memory_space<vmem>>
    tpu.enqueue_dma source(%dma_start3A_189 : memref<2048x24xf32, #tpu.memory_space<vmem>>) target(%dma_start3A_185 : memref<2048x24xf32, #tpu.memory_space<hbm>>) target_semaphore(%arg14 : memref<!tpu.dma_semaphore, #tpu.memory_space<semaphore_mem>>)
    %dma_wait3A_190 = arith.constant 0 : i32
    %dma_wait3A_191 = arith.constant 0 : i32
    %dma_wait3A_192 = arith.constant 0 : i32
    %dma_wait3A_193 = tpu.memref_slice %arg11[%dma_wait3A_190, %dma_wait3A_191, %dma_wait3A_192] : memref<2x2048x24xf32, #tpu.memory_space<vmem>> -> memref<1x2048x24xf32, #tpu.memory_space<vmem>>
    %dma_wait3A_194 = tpu.memref_squeeze %dma_wait3A_193 : memref<1x2048x24xf32, #tpu.memory_space<vmem>> -> memref<2048x24xf32, #tpu.memory_space<vmem>>
    %dma_wait3A_195 = arith.constant 0 : i32
    %dma_wait3A_196 = tpu.memref_slice %arg5[%add3A_176, %dma_wait3A_195] : memref<196608x24xf32, #tpu.memory_space<hbm>> -> memref<2048x24xf32, #tpu.memory_space<hbm>>
    %dma_wait3A_197 = arith.constant 0 : i32
    %dma_wait3A_198 = tpu.memref_slice %arg5[%add3A_176, %dma_wait3A_197] : memref<196608x24xf32, #tpu.memory_space<hbm>> -> memref<2048x24xf32, #tpu.memory_space<hbm>>
    %dma_wait3A_199 = arith.constant 0 : i32
    %dma_wait3A_200 = arith.constant 0 : i32
    %dma_wait3A_201 = tpu.memref_slice %arg11[%dma_wait3A_190, %dma_wait3A_199, %dma_wait3A_200] : memref<2x2048x24xf32, #tpu.memory_space<vmem>> -> memref<1x2048x24xf32, #tpu.memory_space<vmem>>
    %dma_wait3A_202 = tpu.memref_squeeze %dma_wait3A_201 : memref<1x2048x24xf32, #tpu.memory_space<vmem>> -> memref<2048x24xf32, #tpu.memory_space<vmem>>
    tpu.wait_dma2 semaphore(%arg14 : memref<!tpu.dma_semaphore, #tpu.memory_space<semaphore_mem>>) src(%dma_wait3A_202 : memref<2048x24xf32, #tpu.memory_space<vmem>>) dst(%dma_wait3A_198 : memref<2048x24xf32, #tpu.memory_space<hbm>>)
    %dma_wait3A_203 = arith.constant 1 : i32
    %dma_wait3A_204 = arith.constant 0 : i32
    %dma_wait3A_205 = arith.constant 0 : i32
    %dma_wait3A_206 = tpu.memref_slice %arg11[%dma_wait3A_203, %dma_wait3A_204, %dma_wait3A_205] : memref<2x2048x24xf32, #tpu.memory_space<vmem>> -> memref<1x2048x24xf32, #tpu.memory_space<vmem>>
    %dma_wait3A_207 = tpu.memref_squeeze %dma_wait3A_206 : memref<1x2048x24xf32, #tpu.memory_space<vmem>> -> memref<2048x24xf32, #tpu.memory_space<vmem>>
    %dma_wait3A_208 = arith.constant 0 : i32
    %dma_wait3A_209 = tpu.memref_slice %arg5[%add3A_128, %dma_wait3A_208] : memref<196608x24xf32, #tpu.memory_space<hbm>> -> memref<2048x24xf32, #tpu.memory_space<hbm>>
    %dma_wait3A_210 = arith.constant 0 : i32
    %dma_wait3A_211 = tpu.memref_slice %arg5[%add3A_128, %dma_wait3A_210] : memref<196608x24xf32, #tpu.memory_space<hbm>> -> memref<2048x24xf32, #tpu.memory_space<hbm>>
    %dma_wait3A_212 = arith.constant 0 : i32
    %dma_wait3A_213 = arith.constant 0 : i32
    %dma_wait3A_214 = tpu.memref_slice %arg11[%dma_wait3A_203, %dma_wait3A_212, %dma_wait3A_213] : memref<2x2048x24xf32, #tpu.memory_space<vmem>> -> memref<1x2048x24xf32, #tpu.memory_space<vmem>>
    %dma_wait3A_215 = tpu.memref_squeeze %dma_wait3A_214 : memref<1x2048x24xf32, #tpu.memory_space<vmem>> -> memref<2048x24xf32, #tpu.memory_space<vmem>>
    tpu.wait_dma2 semaphore(%arg14 : memref<!tpu.dma_semaphore, #tpu.memory_space<semaphore_mem>>) src(%dma_wait3A_215 : memref<2048x24xf32, #tpu.memory_space<vmem>>) dst(%dma_wait3A_211 : memref<2048x24xf32, #tpu.memory_space<hbm>>)
    return
  }
}

</mosaic_0001>

<sc_bundles>
// kernel: kernel.3.cloned.1.call-start
scs
__scs_entry_jumppad:
0x0: {  	(pc) =	sbr.rel $0x88, $3  }
0x1: {  	(tag) =	ssettag $0x0;
	lr =	simm.s32 $0x1  }
0x2: {  	[smem:$0x3F9E] =	sst lr;
	_ =	strace $0xD0000000  }
0x3: {  	_ = 	snop  }
0x4: {  	_ = 	snop  }
0x5: {  	_ = 	snop  }
0x6: {  	_ = 	snop  }
0x7: {  	_ = 	snop  }
__scs_overlays_trampoline_lowered:
0x8: {  	[smem:$0x3FAD] =	sst s0  }
0x9: {  	[smem:$0x3FAE] =	sst s1  }
0xa: {  	[smem:$0x3FAF] =	sst s2  }
0xb: {  	[smem:$0x3FB0] =	sst s3  }
0xc: {  	[smem:$0x3FB1] =	sst s4  }
0xd: {  	[smem:$0x3FB2] =	sst s5  }
0xe: {  	[smem:$0x3FB3] =	sst s6  }
0xf: {  	[smem:$0x3FB4] =	sst s7  }
0x10: {  	[smem:$0x3FB5] =	sst s8  }
0x11: {  	[smem:$0x3FB6] =	sst s9;
	s0 =	simm.s32 @!p0 $0x0  }
0x12: {  	s1 =	sld [smem:$0x3F9C];
	s0 =	simm.s32 @p0 $0x1  }
0x13: {  	[smem:$0x3FB7] =	sst s0;
	s0 =	simm.s32 @!p1 $0x0  }
0x14: {  	s2 =	sld [smem:$0x3F9B];
	s0 =	simm.s32 @p1 $0x1  }
0x15: {  	[smem:$0x3FB8] =	sst s0;
	s0 =	simm.s32 @!p2 $0x0  }
0x16: {  	s3 =	sld [smem:$0x3FDB];
	s0 =	simm.s32 @p2 $0x1  }
0x17: {  	s4 =	simm.s32 $0x1BF5;
	[smem:$0x3FBA] =	sst s0  }
0x18: {  	s0 =	sld [smem:$0x3F9D];
	_ =	swait.ge [sflag:s4], $0x0  }
0x19: {  	s7 =	sld [smem:$0x3F9E]  }
0x1a: {  	s8 =	sadd.s32 $0xFFFFE003, lr  }
0x1b: {  	s9 =	sadd.s32 $0xFFFFFEF7, lr;
	s5 =	simm.s32 $0xFFFFFFFF;
	p2 =	slt.u32 s8, $0xFFFFF086  }
0x1c: {  	p1 =	slt.u32 s9, $0xF7A;
	s5 =	simm.s32 @!p2 $0x0  }
0x1d: {  	s5 =	simm.s32 @p1 $0x1;
	p0 =	seq.s32 s7, s2  }
0x1e: {  	s7 =	smul.u32 @!p0 $0xF7A, s2;
	p2 =	seq.s32 @!p0 s5, $0x0  }
0x1f: {  	s9 =	smul.u32 $0xF7A, s1;
	s8 =	simm.s32 @!p0 $0x1BF5;
	p2 =	por !p2, p0  }
0x20: {  	[sflag:s8] =	ssyncset.s32 @!p0 $0xFFFFF086;
	s6 =	sadd.s32 @!p0 s3, s7;
	s7 =	simm.s32 @!p0 $0x108  }
0x21: {  	s3 =	sadd.s32 s3, s9;
	s6 =	sadd.s32 @!p0 $0x88, s6;
	s7 =	simm.s32 @p2 $0x1082  }
0x22: {  	[simem:s7], [sflag:s8] =	dma.local @!p0 [hbm:s6], $0xF7A  }
0x23: {  	s9 =	sor.u32 $0xD0000000, s2;
	s6 =	simm.s32 $0x108;
	_ =	swait.ge @!p0 [sflag:s8], $0x0  }
0x24: {  	s3 =	sadd.s32 $0x88, s3;
	s6 =	simm.s32 @!p1 $0x1082;
	[sflag:s4] =	ssyncset.s32 $0xFFFFF086  }
0x25: {  	[simem:s6], [sflag:s4] =	dma.local [hbm:s3], $0xF7A  }
0x26: {  	[smem:$0x3F9E] =	sst s1;
	(tag) =	ssettag s2;
	_ =	strace s9  }
0x27: {  	s1 =	sld [smem:$0x3FAE]  }
0x28: {  	s2 =	sld [smem:$0x3FAF]  }
0x29: {  	s4 =	sld [smem:$0x3FB1]  }
0x2a: {  	p0 =	seq.s32 s5, $0x0;
	s5 =	sld [smem:$0x3FB2]  }
0x2b: {  	s6 =	sld [smem:$0x3FB3]  }
0x2c: {  	s7 =	sld [smem:$0x3FB4]  }
0x2d: {  	s3 =	simm.s32 $0x108;
	s8 =	sld [smem:$0x3FB5]  }
0x2e: {  	s3 =	simm.s32 @!p0 $0x1082;
	s9 =	sld [smem:$0x3FB6]  }
0x2f: {  	lr =	sadd.s32 s0, s3;
	s0 =	sld [smem:$0x3FAD]  }
0x30: {  	s3 =	sld [smem:$0x3FB0]  }
0x31: {  	[smem:$0x3FB9] =	sst s10  }
0x32: {  	s10 =	sld [smem:$0x3FB7];
	_ =	sdelay $0x3  }
0x33: {  	p0 =	seq.s32 s10, $0x1;
	s10 =	sld [smem:$0x3FB9];
	_ =	sdelay $0x3  }
0x34: {  	[smem:$0x3FB9] =	sst s10  }
0x35: {  	s10 =	sld [smem:$0x3FB8];
	_ =	sdelay $0x3  }
0x36: {  	p1 =	seq.s32 s10, $0x1;
	s10 =	sld [smem:$0x3FB9];
	_ =	sdelay $0x3  }
0x37: {  	[smem:$0x3FB9] =	sst s10  }
0x38: {  	s10 =	sld [smem:$0x3FBA]  }
0x39: {  	_ = 	snop;
	(pc) =	sbr.ind lr, $3  }
0x3a: {  	_ = 	snop  }
0x3b: {  	_ = 	snop  }
0x3c: {  	p2 =	seq.s32 s10, $0x1;
	s10 =	sld [smem:$0x3FB9]  }
0x3d: {  	_ =	shalt  }
0x3e: {  	_ =	shalt  }
0x3f: {  	_ =	shalt  }
0x40: {  	_ =	shalt  }
0x41: {  	_ =	shalt  }
0x42: {  	_ =	shalt  }
0x43: {  	_ =	shalt  }
0x44: {  	_ =	shalt  }
0x45: {  	_ =	shalt  }
0x46: {  	_ =	shalt  }
0x47: {  	_ =	shalt  }
0x48: {  	_ =	shalt  }
0x49: {  	_ =	shalt  }
0x4a: {  	_ =	shalt  }
0x4b: {  	_ =	shalt  }
0x4c: {  	_ =	shalt  }
0x4d: {  	_ =	shalt  }
0x4e: {  	_ =	shalt  }
0x4f: {  	_ =	shalt  }
0x50: {  	_ =	shalt  }
0x51: {  	_ =	shalt  }
0x52: {  	_ =	shalt  }
0x53: {  	_ =	shalt  }
0x54: {  	_ =	shalt  }
0x55: {  	_ =	shalt  }
0x56: {  	_ =	shalt  }
0x57: {  	_ =	shalt  }
0x58: {  	_ =	shalt  }
0x59: {  	_ =	shalt  }
0x5a: {  	_ =	shalt  }
0x5b: {  	_ =	shalt  }
0x5c: {  	_ =	shalt  }
0x5d: {  	_ =	shalt  }
0x5e: {  	_ =	shalt  }
0x5f: {  	_ =	shalt  }
0x60: {  	_ =	shalt  }
0x61: {  	_ =	shalt  }
0x62: {  	_ =	shalt  }
0x63: {  	_ =	shalt  }
0x64: {  	_ =	shalt  }
0x65: {  	_ =	shalt  }
0x66: {  	_ =	shalt  }
0x67: {  	_ =	shalt  }
0x68: {  	_ =	shalt  }
0x69: {  	_ =	shalt  }
0x6a: {  	_ =	shalt  }
0x6b: {  	_ =	shalt  }
0x6c: {  	_ =	shalt  }
0x6d: {  	_ =	shalt  }
0x6e: {  	_ =	shalt  }
0x6f: {  	_ =	shalt  }
0x70: {  	_ =	shalt  }
0x71: {  	_ =	shalt  }
0x72: {  	_ =	shalt  }
0x73: {  	_ =	shalt  }
0x74: {  	_ =	shalt  }
0x75: {  	_ =	shalt  }
0x76: {  	_ =	shalt  }
0x77: {  	_ =	shalt  }
0x78: {  	_ =	shalt  }
0x79: {  	_ =	shalt  }
0x7a: {  	_ =	shalt  }
0x7b: {  	_ =	shalt  }
0x7c: {  	_ =	shalt  }
0x7d: {  	_ =	shalt  }
0x7e: {  	_ =	shalt  }
0x7f: {  	_ =	shalt  }
0x80: {  	_ =	shalt  }
0x81: {  	_ =	shalt  }
0x82: {  	_ =	shalt  }
0x83: {  	_ =	shalt  }
0x84: {  	_ =	shalt  }
0x85: {  	_ =	shalt  }
0x86: {  	_ =	shalt  }
0x87: {  	_ =	shalt  }
.Lfunc_end0:
.L_simem_size_0:
called_computation_lowered:
.L_overlay_start_0:
0x88: {  	s2 =	sld [smem:$0x3FD9]  }
0x89: {  	s3 =	sld [smem:$0x3FFE];
	_ =	sdelay $0x1  }
0x8a: {  	s1 =	srdreg.scid  }
0x8b: {  	s0 =	sand.u32 $0x1, s1  }
0x8c: {  	s17 =	sshll.u32 s0, $0xA;
	s2 =	sadd.s32 s3, s2  }
0x8d: {  	s2 =	sadd.s32 s2, s17  }
0x8e: {  	[smem:$0x3FC5] =	sst s2  }
0x8f: {  	_ = 	snop  }
0x90: {  	s2 =	sld [smem:$0x3FD0];
	(tm) =	ssettm $0x1  }
0x91: {  	s18 =	sld [smem:$0x3FFB];
	_ =	sdelay $0x3  }
0x92: {  	_ =	strace s18  }
0x93: {  	s3 =	sld [smem:$0x3FFC];
	_ =	sdelay $0x3  }
0x94: {  	_ =	strace s3  }
0x95: {  	s3 =	sld [smem:$0x3FFD];
	_ =	sdelay $0x3  }
0x96: {  	_ =	strace s3  }
0x97: {  	_ =	strace $0x8FFFFFFF  }
0x98: {  	s19 =	sld [smem:$0x3FDB];
	_ =	sdelay $0x1  }
0x99: {  	s4 =	simm.s32 $_scs_section_size  }
0x9a: {  	s5 =	simm.s32 $_size__tile_overlayer_lowered;
	s6 =	simm.s32 $_tile_overlayer_lowered  }
0x9b: {  	s22 =	simm.s32 $0x1BFF;
	s21 =	sshll.u32 s6, $0x1;
	s3 =	sadd.s32 s4, s19  }
0x9c: {  	s7 =	simm.s32 $0x0;
	s20 =	sshll.u32 s5, $0x1;
	s5 =	sadd.s32 s21, s3  }
0x9d: {  	[timem:s7], [sflag:s22] =	dma.local [hbm:s5], s20  }
0x9e: {  	_ =	swait.ge [sflag:s22], s20  }
0x9f: {  	s4 =	ssub.s32 $0x0, s20;
	[sflag:s22] =	ssyncset.done $0x0  }
0xa0: {  	[sflag:s22] =	ssyncadd.s32 s4;
	_ =	sdelay $0x1  }
0xa1: {  	s23 =	simm.s32 $0x1B8B  }
0xa2: {  	_ =	swait.ge [sflag:s23], $0x1  }
0xa3: {  	[sflag:s23] =	ssyncset.done $0x0  }
0xa4: {  	s25 =	simm.s32 $0x1B8E;
	s24 =	sld [smem:$0x3FFE];
	[sflag:s23] =	ssyncadd.s32 $0xFFFFFFFF  }
0xa5: {  	s26 =	simm.s32 $execute0_lowered;
	[smem:$0x3FD2] =	sst s25  }
0xa6: {  	s5 =	sshll.u32 s26, $0x1;
	_ =	strace $0x80000046;
	[dreg:$0x1] =	wrdreg $0xFFFFFFFF  }
0xa7: {  	s28 =	simm.s32 $_size_execute0_lowered;
	s3 =	sadd.s32 s3, s5;
	[dreg:$0x0] =	wrdreg $0x0  }
0xa8: {  	s5 =	sshll.u32 s28, $0x1;
	[dreg:$0x2] =	wrdreg s3  }
0xa9: {  	[dreg:$0x3] =	wrdreg s5  }
0xaa: {  	[dreg:$0x4] =	wrdreg $0xC0  }
0xab: {  	_ =	task [dreg:s7], $0x5FFFF  }
0xac: {  	[dreg:$0x1] =	wrdreg $0xFFFFFFFF  }
0xad: {  	[dreg:$0x0] =	wrdreg $0x60  }
0xae: {  	[dreg:$0x2] =	wrdreg s24  }
0xaf: {  	[dreg:$0x3] =	wrdreg s2  }
0xb0: {  	[dreg:$0x4] =	wrdreg $0x1D3400  }
0xb1: {  	[dreg:$0x5] =	wrdreg $0x9  }
0xb2: {  	_ =	task.clear_ibuf [dreg:s7], $0x6FFFF;
	_ =	strace $0x90000046  }
0xb3: {  	s29 =	simm.s32 $0x9;
	_ =	strace $0x80000048  }
0xb4: {  	_ =	swait.ge [sflag:s29], $0x1  }
0xb5: {  	[sflag:s29] =	ssyncadd.s32 $0xFFFFFFFF  }
0xb6: {  	_ =	strace $0x90000048  }
0xb7: {  	_ =	sfence  }
0xb8: {  	s30 =	sld [smem:$0x0];
	_ =	sdelay $0x2  }
0xb9: {  	s31 =	sshll.u32 s1, $0xD;
	s1 =	sshrl.u32 s1, $0x2  }
0xba: {  	s3 =	sand.u32 $0x4000, s31;
	s1 =	sadd.s32 s1, s30  }
0xbb: {  	s0 =	sor.u32 s3, s0;
	s1 =	sshll.u32 s1, $0x11  }
0xbc: {  	s0 =	sor.u32 s1, s0  }
0xbd: {  	s0 =	sadd.s32 $0x8F2B, s0  }
0xbe: {  	[sflag:s0] =	ssyncadd.remote.s32 $0x1  }
0xbf: {  	_ =	sfence.sel $0xFFFF  }
0xc0: {  	[dreg:$0x0] =	wrdreg $0xFFFFFFFF;
	(pc) =	sbr.abs _section_cstart, $3  }
0xc1: {  	[dreg:$0x1] =	wrdreg $0xFFFFFFFF  }
0xc2: {  	_ =	task.clear_ibuf [dreg:s7], $0x2FFFF;
	_ =	strace $0x9FFFFFFF  }
0xc3: {  	(tm) =	ssettm $0x7FFFFFFF  }
tec
execute0_lowered:
.L_overlay_start_1:
0x0: {  	(tag) =	ssettag $0x1  }
0x1: {  	v0 =	vimm.s32 $0x76543210  }
0x2: {  	v1 =	vimm.s32 $0x13121110;
	v2 =	vimm.s32 $0x17161514;
	vm0 =	vcmask $0x1F10  }
0x3: {  	v41 =	vlaneseq.u32;
	v36 =	vimm.s32 $0x3210BA98;
	v38 =	vimm.s32 $0xBA987654  }
0x4: {  	s0 =	stileid.u32;
	v0 =	vunpack.c.l.s4.s8 v0;
	v1 =	vunpack.c.0.s8.s32 v1;
	v2 =	vunpack.c.0.s8.s32 v2  }
0x5: {  	s1 =	smul.u32 $0xC, s0;
	v25 =	vand.u32 $0x7, v41;
	v42 =	vor.u32 $0x10, v41;
	v26 =	vadd.s32 $0x8, v41  }
0x6: {  	s2 =	smul.u32 $0x18, s0;
	v43 =	vor.u32 $0x20, v41;
	v36 =	vunpack.c.l.s4.s8 v36;
	v38 =	vunpack.c.l.s4.s8 v38  }
0x7: {  	s6 =	sor.u32 $0x10, s0;
	v45 =	vunpack.c.0.s8.s32 v0;
	v0 =	vmov s1;
	v1 =	vsel vm0, v2, v1  }
0x8: {  	s9 =	smul.u32 $0xC, s6;
	s3 =	sor.u32 $0x2, s1;
	s15 =	sadd.s32 $0x4, s1;
	v4 =	vadd.s32 s2, v26;
	v36 =	vunpack.c.0.s8.s32 v36;
	v38 =	vunpack.c.0.s8.s32 v38  }
0x9: {  	s4 =	smul.u32 $0x18, s6;
	s16 =	sadd.s32 $0x6, s1;
	s17 =	sadd.s32 $0x8, s1;
	v0 =	vmul.u32 $0x18, v0;
	v3 =	vmov s3;
	v7 =	vmov s15  }
0xa: {  	v4 =	vand.u32 $0x3F8, v4;
	v9 =	vmov s16;
	v12 =	vmov s17  }
0xb: {  	v18 =	vmov s9;
	v23 =	vadd.s32 s4, v41;
	v26 =	vadd.s32 s4, v26  }
0xc: {  	v22 =	vcombine.low v1, v45;
	v1 =	vadd.s32 s2, v41;
	v6 =	vmul.u32 $0x18, v3  }
0xd: {  	s1 =	sadd.s32 $0xA, s1;
	v7 =	vmul.u32 $0x18, v7;
	v4 =	vor.u32 v25, v4;
	v10 =	vmul.u32 $0x18, v9  }
0xe: {  	s20 =	sor.u32 $0x2, s9;
	s8 =	sadd.s32 $0x4, s9;
	v15 =	vmul.u32 $0x18, v12;
	v12 =	vmov s1;
	v21 =	vmul.u32 $0x18, v18  }
0xf: {  	s15 =	sadd.s32 $0x8, s9;
	s26 =	sadd.s32 $0xA, s9;
	v23 =	vand.u32 $0x7F8, v23;
	v24 =	vmov s20;
	v29 =	vmov s8  }
0x10: {  	v26 =	vand.u32 $0x7F8, v26;
	v34 =	vmov s15;
	v37 =	vmov s26  }
0x11: {  	v46 =	vcombine.low v45, v36;
	v47 =	vand.u32 $0xF, v38;
	v5 =	vbroadcast v0, $0x0  }
0x12: {  	v1 =	vand.u32 $0x3F8, v1;
	v16 =	vmul.u32 $0x18, v12;
	v28 =	vmul.u32 $0x18, v24  }
0x13: {  	v29 =	vmul.u32 $0x18, v29;
	v34 =	vmul.u32 $0x18, v34;
	v45 =	vcombine.low v47, v45  }
0x14: {  	v39 =	vmul.u32 $0x18, v37;
	v8 =	vbroadcast v6, $0x0;
	v11 =	vbroadcast v7, $0x0  }
0x15: {  	v0 =	vadd.s32 s2, v22;
	v14 =	vbroadcast v10, $0x0;
	v17 =	vbroadcast v15, $0x0  }
0x16: {  	v27 =	vbroadcast v21, $0x0;
	v21 =	vor.u32 v25, v23;
	v23 =	vadd.s32 s4, v22  }
0x17: {  	s5 =	rddreg [dreg:$0x0];
	v2 =	vand.u32 $0x3F8, v0;
	v0 =	vor.u32 v25, v1;
	v1 =	vor.u32 v41, v5  }
0x18: {  	s12 =	rddreg [dreg:$0x1];
	s18 =	srdreg.scid;
	v3 =	vor.u32 v42, v5;
	v5 =	vadd.s32 v43, v5;
	v20 =	vbroadcast v16, $0x0  }
0x19: {  	s28 =	simm.s32 $0x4B40;
	s29 =	simm.s32 $0x0;
	s21 =	sadd.s32 $0x6, s9;
	v23 =	vand.u32 $0x7F8, v23;
	v30 =	vbroadcast v28, $0x0;
	v32 =	vbroadcast v29, $0x0  }
0x1a: {  	s7 =	sand.u32 $0x1, s18;
	s19 =	sshll.u32 s0, $0x1;
	s13 =	smul.u32 $0x120, s0;
	v28 =	vmov s21;
	v40 =	vbroadcast v34, $0x0;
	v44 =	vbroadcast v39, $0x0  }
0x1b: {  	p0 =	sgt.u32 s0, $0xB;
	s10 =	sor.u32 s7, s19;
	s24 =	smul.u32 $0x120, s6;
	v2 =	vor.u32 v25, v2;
	v6 =	vor.u32 v41, v8;
	v7 =	vadd.s32 v42, v8  }
0x1c: {  	s18 =	simm.s32 $0x1BC0;
	s7 =	ssub.s32 $0x2, s7;
	s11 =	smul.u32 $0x300, s10;
	v8 =	vadd.s32 v43, v8;
	v9 =	vor.u32 v41, v11;
	v10 =	vor.u32 v42, v11  }
0x1d: {  	s19 =	simm.s32 $0x3;
	s23 =	sshrl.u32 s7, $0x1;
	s25 =	smul.u32 $0x4800, s10;
	v11 =	vadd.s32 v43, v11;
	v12 =	vor.u32 v41, v14;
	v13 =	vadd.s32 v42, v14  }
0x1e: {  	s3 =	simm.s32 $0x0;
	s14 =	ssub.s32 s7, s23;
	s16 =	smul.u32 $0x24000, s10;
	v14 =	vadd.s32 v43, v14;
	v15 =	vor.u32 v41, v17;
	v16 =	vor.u32 v42, v17  }
0x1f: {  	s10 =	sadd.s32 $0x1BC0, s24;
	s17 =	simm.s32 $0x1AA0;
	s23 =	simm.s32 $0x1;
	v17 =	vadd.s32 v43, v17;
	v22 =	vor.u32 v41, v27;
	v23 =	vor.u32 v25, v23  }
0x20: {  	[smem:$0x7FF] =	sst s3;
	s22 =	sadd.s32 s11, s5;
	s8 =	sadd.s32 $0x1BC0, s13;
	v24 =	vor.u32 v42, v27;
	v25 =	vor.u32 v25, v26;
	v31 =	vmul.u32 $0x18, v28  }
0x21: {  	s11 =	sadd.s32 s12, s25;
	s14 =	smax.u32 s14, $0x1;
	s15 =	simm.s32 $0x1800;
	v26 =	vadd.s32 v43, v27;
	v18 =	vor.u32 v41, v20;
	v19 =	vadd.s32 v42, v20  }
0x22: {  	s20 =	simm.s32 $0x800;
	s25 =	simm.s32 $0x11340;
	s26 =	simm.s32 $0x2;
	v20 =	vadd.s32 v43, v20;
	v27 =	vor.u32 v41, v30;
	v28 =	vadd.s32 v42, v30  }
0x23: {  	s6 =	sadd.s32 $0x800, s22;
	s30 =	sshrl.u32 s16, $0x3;
	s16 =	simm.s32 $0x4;
	v29 =	vadd.s32 v43, v30;
	v30 =	vor.u32 v41, v32;
	v35 =	vbroadcast v31, $0x0  }
0x24: {  	s22 =	simm.s32 $0x5340;
	s2 =	rddreg [dreg:$0x2];
	_ =	strace $0x80000047;
	v37 =	vor.u32 v41, v40;
	v39 =	vor.u32 v42, v40;
	v40 =	vadd.s32 v43, v40  }
0x25: {  	s4 =	sadd.s32 $0x600, s5;
	s5 =	sadd.s32 $0x400, s5;
	s31 =	sadd.s32 s12, s30;
	v31 =	vor.u32 v42, v32;
	v32 =	vadd.s32 v43, v32;
	v33 =	vor.u32 v41, v35  }
0x26: {  	s7 =	sadd.s32 s13, s2;
	s9 =	sadd.s32 s24, s2;
	s12 =	sadd.s32 $0x1800, s31;
	v34 =	vadd.s32 v42, v35;
	v35 =	vadd.s32 v43, v35;
	v41 =	vor.u32 v41, v44  }
0x27: {  	s13 =	sadd.s32 $0x3000, s31;
	s21 =	simm.s32 $0x3B40;
	s24 =	simm.s32 $0x4340;
	v42 =	vadd.s32 v42, v44;
	v43 =	vadd.s32 v43, v44;
	v44 =	vand.u32 $0xF, v46  }
.LBB2_1:
0x28: {  	[tilespmem:s3], [sflag:$0x3] =	stream.linear.gather [hbm4b:s6+s3], $0x1800, $0x38;
	[tilespmem:$0x1D538] =	vst v63  }
0x29: {  	_ = 	snop  }
0x2a: {  	[tilespmem:s15], [sflag:$0x4] =	stream.linear.gather [hbm4b:s4+s3], $0x2A0, $0x38;
	[tilespmem:$0x1D538] =	vst v63  }
0x2b: {  	_ =	swait.ge [sflag:s16], $0x2A0  }
0x2c: {  	[sflag:s16] =	ssyncset.done $0x0  }
0x2d: {  	[sflag:s16] =	ssyncadd.s32 $0xFFFFFD60  }
0x2e: {  	[tilespmem:s17], [sflag:$0x4] =	stream.linear.gather [hbm4b:s5+s3], $0x120, $0x38;
	[tilespmem:$0x1D538] =	vst v63  }
0x2f: {  	_ =	swait.ge [sflag:s16], $0x120  }
0x30: {  	[sflag:s16] =	ssyncset.done $0x0  }
0x31: {  	[sflag:s16] =	ssyncadd.s32 $0xFFFFFEE0  }
0x32: {  	v46 =	vld [tilespmem:$0x1AA0]  }
0x33: {  	v47 =	vld.idx.msk [tilespmem:v0+s15+$0x0], $0xffff;
	_ =	sdelay $0x4  }
0x34: {  	v46 =	vadd.f32 v47, v46;
	_ =	sdelay $0x1  }
0x35: {  	[tilespmem:v1+s18+$0x0] =	vst.idx.msk $0xffff, v46  }
0x36: {  	v46 =	vld [tilespmem:$0x1AB0]  }
0x37: {  	v63 =	vld.idx.msk [tilespmem:v2+s15+$0x0], $0xffff;
	_ =	sdelay $0x4  }
0x38: {  	v46 =	vadd.f32 v63, v46;
	_ =	sdelay $0x1  }
0x39: {  	[tilespmem:v3+s18+$0x0] =	vst.idx.msk $0xffff, v46  }
0x3a: {  	v46 =	vld [tilespmem:$0x1AC0]  }
0x3b: {  	v48 =	vld.idx.msk [tilespmem:v4+s15+$0x0], $0xffff;
	_ =	sdelay $0x4  }
0x3c: {  	v46 =	vadd.f32 v48, v46;
	_ =	sdelay $0x1  }
0x3d: {  	[tilespmem:v5+s18+$0x0] =	vst.idx.msk $0xffff, v46  }
0x3e: {  	v46 =	vld [tilespmem:$0x1AD0]  }
0x3f: {  	v49 =	vld.idx.msk [tilespmem:v0+s15+$0x0], $0xffff;
	_ =	sdelay $0x4  }
0x40: {  	v46 =	vadd.f32 v49, v46;
	_ =	sdelay $0x1  }
0x41: {  	[tilespmem:v6+s18+$0x0] =	vst.idx.msk $0xffff, v46  }
0x42: {  	v46 =	vld [tilespmem:$0x1AE0]  }
0x43: {  	v50 =	vld.idx.msk [tilespmem:v2+s15+$0x0], $0xffff;
	_ =	sdelay $0x4  }
0x44: {  	v46 =	vadd.f32 v50, v46;
	_ =	sdelay $0x1  }
0x45: {  	[tilespmem:v7+s18+$0x0] =	vst.idx.msk $0xffff, v46  }
0x46: {  	v46 =	vld [tilespmem:$0x1AF0]  }
0x47: {  	v51 =	vld.idx.msk [tilespmem:v4+s15+$0x0], $0xffff;
	_ =	sdelay $0x4  }
0x48: {  	v46 =	vadd.f32 v51, v46;
	_ =	sdelay $0x1  }
0x49: {  	[tilespmem:v8+s18+$0x0] =	vst.idx.msk $0xffff, v46  }
0x4a: {  	v46 =	vld [tilespmem:$0x1B00]  }
0x4b: {  	v52 =	vld.idx.msk [tilespmem:v0+s15+$0x0], $0xffff;
	_ =	sdelay $0x4  }
0x4c: {  	v46 =	vadd.f32 v52, v46;
	_ =	sdelay $0x1  }
0x4d: {  	[tilespmem:v9+s18+$0x0] =	vst.idx.msk $0xffff, v46  }
0x4e: {  	v46 =	vld [tilespmem:$0x1B10]  }
0x4f: {  	v53 =	vld.idx.msk [tilespmem:v2+s15+$0x0], $0xffff;
	_ =	sdelay $0x4  }
0x50: {  	v46 =	vadd.f32 v53, v46;
	_ =	sdelay $0x1  }
0x51: {  	[tilespmem:v10+s18+$0x0] =	vst.idx.msk $0xffff, v46  }
0x52: {  	v46 =	vld [tilespmem:$0x1B20]  }
0x53: {  	v54 =	vld.idx.msk [tilespmem:v4+s15+$0x0], $0xffff;
	_ =	sdelay $0x4  }
0x54: {  	v46 =	vadd.f32 v54, v46;
	_ =	sdelay $0x1  }
0x55: {  	[tilespmem:v11+s18+$0x0] =	vst.idx.msk $0xffff, v46  }
0x56: {  	v46 =	vld [tilespmem:$0x1B30]  }
0x57: {  	v55 =	vld.idx.msk [tilespmem:v0+s15+$0x0], $0xffff;
	_ =	sdelay $0x4  }
0x58: {  	v46 =	vadd.f32 v55, v46;
	_ =	sdelay $0x1  }
0x59: {  	[tilespmem:v12+s18+$0x0] =	vst.idx.msk $0xffff, v46  }
0x5a: {  	v46 =	vld [tilespmem:$0x1B40]  }
0x5b: {  	v56 =	vld.idx.msk [tilespmem:v2+s15+$0x0], $0xffff;
	_ =	sdelay $0x4  }
0x5c: {  	v46 =	vadd.f32 v56, v46;
	_ =	sdelay $0x1  }
0x5d: {  	[tilespmem:v13+s18+$0x0] =	vst.idx.msk $0xffff, v46  }
0x5e: {  	v46 =	vld [tilespmem:$0x1B50]  }
0x5f: {  	v57 =	vld.idx.msk [tilespmem:v4+s15+$0x0], $0xffff;
	_ =	sdelay $0x4  }
0x60: {  	v46 =	vadd.f32 v57, v46;
	_ =	sdelay $0x1  }
0x61: {  	[tilespmem:v14+s18+$0x0] =	vst.idx.msk $0xffff, v46  }
0x62: {  	v46 =	vld [tilespmem:$0x1B60]  }
0x63: {  	v58 =	vld.idx.msk [tilespmem:v0+s15+$0x0], $0xffff;
	_ =	sdelay $0x4  }
0x64: {  	v46 =	vadd.f32 v58, v46;
	_ =	sdelay $0x1  }
0x65: {  	[tilespmem:v15+s18+$0x0] =	vst.idx.msk $0xffff, v46  }
0x66: {  	v46 =	vld [tilespmem:$0x1B70]  }
0x67: {  	v59 =	vld.idx.msk [tilespmem:v2+s15+$0x0], $0xffff;
	_ =	sdelay $0x4  }
0x68: {  	v46 =	vadd.f32 v59, v46;
	_ =	sdelay $0x1  }
0x69: {  	[tilespmem:v16+s18+$0x0] =	vst.idx.msk $0xffff, v46  }
0x6a: {  	v46 =	vld [tilespmem:$0x1B80]  }
0x6b: {  	v60 =	vld.idx.msk [tilespmem:v4+s15+$0x0], $0xffff;
	_ =	sdelay $0x4  }
0x6c: {  	v46 =	vadd.f32 v60, v46;
	_ =	sdelay $0x1  }
0x6d: {  	[tilespmem:v17+s18+$0x0] =	vst.idx.msk $0xffff, v46  }
0x6e: {  	v46 =	vld [tilespmem:$0x1B90]  }
0x6f: {  	v61 =	vld.idx.msk [tilespmem:v0+s15+$0x0], $0xffff;
	_ =	sdelay $0x4  }
0x70: {  	v46 =	vadd.f32 v61, v46;
	_ =	sdelay $0x1  }
0x71: {  	[tilespmem:v18+s18+$0x0] =	vst.idx.msk $0xffff, v46  }
0x72: {  	v46 =	vld [tilespmem:$0x1BA0]  }
0x73: {  	v62 =	vld.idx.msk [tilespmem:v2+s15+$0x0], $0xffff;
	_ =	sdelay $0x4  }
0x74: {  	v46 =	vadd.f32 v62, v46;
	_ =	sdelay $0x1  }
0x75: {  	[tilespmem:v19+s18+$0x0] =	vst.idx.msk $0xffff, v46  }
0x76: {  	v46 =	vld [tilespmem:$0x1BB0]  }
0x77: {  	v63 =	vld.idx.msk [tilespmem:v4+s15+$0x0], $0xffff;
	_ =	sdelay $0x4  }
0x78: {  	v46 =	vadd.f32 v63, v46;
	_ =	sdelay $0x1  }
.Ltmp0:
0x79: {  	[tilespmem:v20+s18+$0x0] =	vst.idx.msk $0xffff, v46;
	(pc) =	sbr.rel @p0 .LBB2_3-.Ltmp0, $4  }
0x7a: {  	[spmem:s7] =	stream.linear.scatter [tilespmem:s8], [sflag:$0x4], $0x120, $0x38;
	[tilespmem:$0x1D538] =	vst v63  }
0x7b: {  	_ =	swait.ge [sflag:s16], $0x120  }
0x7c: {  	[sflag:s16] =	ssyncset.done $0x0  }
0x7d: {  	[sflag:s16] =	ssyncadd.s32 $0xFFFFFEE0  }
0x7e: {  	_ =	sdelay $0x2  }
0x7f: {  	v46 =	vld [tilespmem:$0x1AA0]  }
0x80: {  	v47 =	vld.idx.msk [tilespmem:v21+s15+$0x0], $0xffff;
	_ =	sdelay $0x4  }
0x81: {  	v46 =	vadd.f32 v47, v46;
	_ =	sdelay $0x1  }
0x82: {  	[tilespmem:v22+s18+$0x0] =	vst.idx.msk $0xffff, v46  }
0x83: {  	v46 =	vld [tilespmem:$0x1AB0]  }
0x84: {  	v63 =	vld.idx.msk [tilespmem:v23+s15+$0x0], $0xffff;
	_ =	sdelay $0x4  }
0x85: {  	v46 =	vadd.f32 v63, v46;
	_ =	sdelay $0x1  }
0x86: {  	[tilespmem:v24+s18+$0x0] =	vst.idx.msk $0xffff, v46  }
0x87: {  	v46 =	vld [tilespmem:$0x1AC0]  }
0x88: {  	v48 =	vld.idx.msk [tilespmem:v25+s15+$0x0], $0xffff;
	_ =	sdelay $0x4  }
0x89: {  	v46 =	vadd.f32 v48, v46;
	_ =	sdelay $0x1  }
0x8a: {  	[tilespmem:v26+s18+$0x0] =	vst.idx.msk $0xffff, v46  }
0x8b: {  	v46 =	vld [tilespmem:$0x1AD0]  }
0x8c: {  	v49 =	vld.idx.msk [tilespmem:v21+s15+$0x0], $0xffff;
	_ =	sdelay $0x4  }
0x8d: {  	v46 =	vadd.f32 v49, v46;
	_ =	sdelay $0x1  }
0x8e: {  	[tilespmem:v27+s18+$0x0] =	vst.idx.msk $0xffff, v46  }
0x8f: {  	v46 =	vld [tilespmem:$0x1AE0]  }
0x90: {  	v50 =	vld.idx.msk [tilespmem:v23+s15+$0x0], $0xffff;
	_ =	sdelay $0x4  }
0x91: {  	v46 =	vadd.f32 v50, v46;
	_ =	sdelay $0x1  }
0x92: {  	[tilespmem:v28+s18+$0x0] =	vst.idx.msk $0xffff, v46  }
0x93: {  	v46 =	vld [tilespmem:$0x1AF0]  }
0x94: {  	v51 =	vld.idx.msk [tilespmem:v25+s15+$0x0], $0xffff;
	_ =	sdelay $0x4  }
0x95: {  	v46 =	vadd.f32 v51, v46;
	_ =	sdelay $0x1  }
0x96: {  	[tilespmem:v29+s18+$0x0] =	vst.idx.msk $0xffff, v46  }
0x97: {  	v46 =	vld [tilespmem:$0x1B00]  }
0x98: {  	v52 =	vld.idx.msk [tilespmem:v21+s15+$0x0], $0xffff;
	_ =	sdelay $0x4  }
0x99: {  	v46 =	vadd.f32 v52, v46;
	_ =	sdelay $0x1  }
0x9a: {  	[tilespmem:v30+s18+$0x0] =	vst.idx.msk $0xffff, v46  }
0x9b: {  	v46 =	vld [tilespmem:$0x1B10]  }
0x9c: {  	v53 =	vld.idx.msk [tilespmem:v23+s15+$0x0], $0xffff;
	_ =	sdelay $0x4  }
0x9d: {  	v46 =	vadd.f32 v53, v46;
	_ =	sdelay $0x1  }
0x9e: {  	[tilespmem:v31+s18+$0x0] =	vst.idx.msk $0xffff, v46  }
0x9f: {  	v46 =	vld [tilespmem:$0x1B20]  }
0xa0: {  	v54 =	vld.idx.msk [tilespmem:v25+s15+$0x0], $0xffff;
	_ =	sdelay $0x4  }
0xa1: {  	v46 =	vadd.f32 v54, v46;
	_ =	sdelay $0x1  }
0xa2: {  	[tilespmem:v32+s18+$0x0] =	vst.idx.msk $0xffff, v46  }
0xa3: {  	v46 =	vld [tilespmem:$0x1B30]  }
0xa4: {  	v55 =	vld.idx.msk [tilespmem:v21+s15+$0x0], $0xffff;
	_ =	sdelay $0x4  }
0xa5: {  	v46 =	vadd.f32 v55, v46;
	_ =	sdelay $0x1  }
0xa6: {  	[tilespmem:v33+s18+$0x0] =	vst.idx.msk $0xffff, v46  }
0xa7: {  	v46 =	vld [tilespmem:$0x1B40]  }
0xa8: {  	v56 =	vld.idx.msk [tilespmem:v23+s15+$0x0], $0xffff;
	_ =	sdelay $0x4  }
0xa9: {  	v46 =	vadd.f32 v56, v46;
	_ =	sdelay $0x1  }
0xaa: {  	[tilespmem:v34+s18+$0x0] =	vst.idx.msk $0xffff, v46  }
0xab: {  	v46 =	vld [tilespmem:$0x1B50]  }
0xac: {  	v57 =	vld.idx.msk [tilespmem:v25+s15+$0x0], $0xffff;
	_ =	sdelay $0x4  }
0xad: {  	v46 =	vadd.f32 v57, v46;
	_ =	sdelay $0x1  }
0xae: {  	[tilespmem:v35+s18+$0x0] =	vst.idx.msk $0xffff, v46  }
0xaf: {  	v46 =	vld [tilespmem:$0x1B60]  }
0xb0: {  	v58 =	vld.idx.msk [tilespmem:v21+s15+$0x0], $0xffff;
	_ =	sdelay $0x4  }
0xb1: {  	v46 =	vadd.f32 v58, v46;
	_ =	sdelay $0x1  }
0xb2: {  	[tilespmem:v37+s18+$0x0] =	vst.idx.msk $0xffff, v46  }
0xb3: {  	v46 =	vld [tilespmem:$0x1B70]  }
0xb4: {  	v59 =	vld.idx.msk [tilespmem:v23+s15+$0x0], $0xffff;
	_ =	sdelay $0x4  }
0xb5: {  	v46 =	vadd.f32 v59, v46;
	_ =	sdelay $0x1  }
0xb6: {  	[tilespmem:v39+s18+$0x0] =	vst.idx.msk $0xffff, v46  }
0xb7: {  	v46 =	vld [tilespmem:$0x1B80]  }
0xb8: {  	v60 =	vld.idx.msk [tilespmem:v25+s15+$0x0], $0xffff;
	_ =	sdelay $0x4  }
0xb9: {  	v46 =	vadd.f32 v60, v46;
	_ =	sdelay $0x1  }
0xba: {  	[tilespmem:v40+s18+$0x0] =	vst.idx.msk $0xffff, v46  }
0xbb: {  	v46 =	vld [tilespmem:$0x1B90]  }
0xbc: {  	v61 =	vld.idx.msk [tilespmem:v21+s15+$0x0], $0xffff;
	_ =	sdelay $0x4  }
0xbd: {  	v46 =	vadd.f32 v61, v46;
	_ =	sdelay $0x1  }
0xbe: {  	[tilespmem:v41+s18+$0x0] =	vst.idx.msk $0xffff, v46  }
0xbf: {  	v46 =	vld [tilespmem:$0x1BA0]  }
0xc0: {  	v62 =	vld.idx.msk [tilespmem:v23+s15+$0x0], $0xffff;
	_ =	sdelay $0x4  }
0xc1: {  	v46 =	vadd.f32 v62, v46;
	_ =	sdelay $0x1  }
0xc2: {  	[tilespmem:v42+s18+$0x0] =	vst.idx.msk $0xffff, v46  }
0xc3: {  	v46 =	vld [tilespmem:$0x1BB0]  }
0xc4: {  	v63 =	vld.idx.msk [tilespmem:v25+s15+$0x0], $0xffff;
	_ =	sdelay $0x4  }
0xc5: {  	v46 =	vadd.f32 v63, v46;
	_ =	sdelay $0x1  }
0xc6: {  	[tilespmem:v43+s18+$0x0] =	vst.idx.msk $0xffff, v46  }
0xc7: {  	[spmem:s9] =	stream.linear.scatter [tilespmem:s10], [sflag:$0x4], $0x120, $0x38;
	[tilespmem:$0x1D538] =	vst v63  }
0xc8: {  	_ =	swait.ge [sflag:s16], $0x120  }
0xc9: {  	[sflag:s16] =	ssyncset.done $0x0  }
0xca: {  	[sflag:s16] =	ssyncadd.s32 $0xFFFFFEE0  }
.LBB2_3:
0xcb: {  	_ =	swait.ge [sflag:s19], $0x1800  }
0xcc: {  	[sflag:s19] =	ssyncset.done $0x0  }
0xcd: {  	s30 =	simm.s32 $0x0;
	[sflag:s19] =	ssyncadd.s32 $0xFFFFE800  }
0xce: {  	v46 =	vld [tilespmem:s30+$0x20]  }
0xcf: {  	v48 =	vld [tilespmem:s30+$0x0]  }
0xd0: {  	v49 =	vld [tilespmem:s30+$0x10];
	_ =	sdelay $0x1  }
0xd1: {  	s31 =	simm.s32 $0xC0;
	v47 =	vcombine.low v36, v38  }
.LBB2_4:
0xd2: {  	s1 =	sshra.s32 s31, $0x2;
	p1 =	sne.s32 s31, $0x5F40;
	s31 =	sadd.s32 $0xC0, s31;
	v50 =	vmul.u32 $0xC, v46  }
.Ltmp1:
0xd3: {  	v52 =	vand.u32 $0xF, v47;
	v46 =	vld [tilespmem:s1+$0x20];
	v51 =	vmul.u32 $0xC, v48;
	(pc) =	sbr.rel @p1 .LBB2_4-.Ltmp1, $4  }
0xd4: {  	v48 =	vld [tilespmem:s1+$0x0];
	v53 =	vmul.u32 $0xC, v49;
	v50 =	vadd.s32 v52, v50  }
0xd5: {  	v49 =	vld [tilespmem:s1+$0x10];
	v51 =	vadd.s32 v44, v51;
	[tilespmem:s30+$0x3B60] =	vst v50  }
0xd6: {  	[tilespmem:s30+$0x3B40] =	vst v51;
	v50 =	vadd.s32 v45, v53  }
0xd7: {  	[tilespmem:s30+$0x3B50] =	vst v50;
	s30 =	smov.u32 s1  }
0xd8: {  	v46 =	vmul.u32 $0xC, v46  }
0xd9: {  	v47 =	vand.u32 $0xF, v47;
	v48 =	vmul.u32 $0xC, v48  }
0xda: {  	v49 =	vmul.u32 $0xC, v49;
	v46 =	vadd.s32 v47, v46  }
0xdb: {  	v62 =	vadd.s32 v44, v48;
	[tilespmem:s30+$0x3B60] =	vst v46  }
0xdc: {  	[tilespmem:s30+$0x3B40] =	vst v62;
	v63 =	vadd.s32 v45, v49  }
0xdd: {  	[tilespmem:s30+$0x3B50] =	vst v63  }
0xde: {  	[bflag:$0x0] =	sbarrier.arrive $0xFFFF  }
0xdf: {  	[tilespmem:s22], [sflag:$0x1] =	stream.indirect.gather [spmem:s2], $0x18, s21, s20, $0xb8;
	[tilespmem:$0x1D538] =	vst v63  }
0xe0: {  	_ =	swait.ge [sflag:s23], $0xC000  }
0xe1: {  	[sflag:s23] =	ssyncset.done $0x0  }
0xe2: {  	[sflag:s23] =	ssyncadd.s32 $0xFFFF4000  }
0xe3: {  	[hbm4b:s11+s3] =	stream.linear.scatter [tilespmem:s22], [sflag:$0x2], $0xC000, $0x38;
	[tilespmem:$0x1D538] =	vst v63  }
0xe4: {  	_ = 	snop  }
0xe5: {  	[tilespmem:s25], [sflag:$0x1] =	stream.indirect.gather [spmem:s2], $0x18, s24, s20, $0xb8;
	[tilespmem:$0x1D538] =	vst v63  }
0xe6: {  	_ =	swait.ge [sflag:s23], $0xC000  }
0xe7: {  	[sflag:s23] =	ssyncset.done $0x0  }
0xe8: {  	[sflag:s23] =	ssyncadd.s32 $0xFFFF4000  }
0xe9: {  	[hbm4b:s12+s3] =	stream.linear.scatter [tilespmem:s25], [sflag:$0x2], $0xC000, $0x38;
	[tilespmem:$0x1D538] =	vst v63  }
0xea: {  	_ =	swait.ge [sflag:s26], $0xC000  }
0xeb: {  	[sflag:s26] =	ssyncset.done $0x0  }
0xec: {  	[sflag:s26] =	ssyncadd.s32 $0xFFFF4000  }
0xed: {  	[tilespmem:s22], [sflag:$0x1] =	stream.indirect.gather [spmem:s2], $0x18, s28, s20, $0xb8;
	[tilespmem:$0x1D538] =	vst v63  }
0xee: {  	_ =	swait.ge [sflag:s23], $0xC000  }
0xef: {  	[sflag:s23] =	ssyncset.done $0x0  }
0xf0: {  	s29 =	sadd.s32 $0x1, s29;
	[sflag:s23] =	ssyncadd.s32 $0xFFFF4000  }
0xf1: {  	[hbm4b:s13+s3] =	stream.linear.scatter [tilespmem:s22], [sflag:$0x2], $0xC000, $0x38;
	[tilespmem:$0x1D538] =	vst v63  }
0xf2: {  	p1 =	sne.s32 s29, s14;
	_ =	swait.ge [sflag:s26], $0xC000  }
.Ltmp2:
0xf3: {  	[sflag:s26] =	ssyncset.done $0x0;
	(pc) =	sbr.rel @p1 .LBB2_1-.Ltmp2, $4  }
0xf4: {  	[sflag:s26] =	ssyncadd.s32 $0xFFFF4000  }
0xf5: {  	_ =	swait.ge [sflag:s26], $0xC000  }
0xf6: {  	[sflag:s26] =	ssyncset.done $0x0  }
0xf7: {  	[sflag:s26] =	ssyncadd.s32 $0xFFFF4000  }
0xf8: {  	_ =	sfence.sel $0x180000  }
0xf9: {  	[bflag:$0x0] =	sbarrier.arrive $0xFFFF  }
0xfa: {  	_ =	strace $0x90000047  }
0xfb: {  	[bflag:$0x2] =	sbarrier.arrive $0xFFFF  }
0xfc: {  	p0 =	sne.s32 s0, $0x0;
	s0 =	rddreg [dreg:$0x3]  }
0xfd: {  	s0 =	sadd.s32 @!p0 $0x100000, s0  }
0xfe: {  	[sflag:s0] =	ssyncadd.tile.s32 @!p0 $0x1;
	_ =	shalt  }
.Lfunc_end2:
_tile_overlayer_lowered:
.L_overlay_start_2:
0xff: {  	(tag) =	ssettag $0x2  }
0x100: {  	s0 =	rddreg [dreg:$0x0];
	s2 =	stileid.u32  }
0x101: {  	s1 =	rddreg [dreg:$0x1];
	p0 =	sne.s32 s2, $0x0  }
0x102: {  	s3 =	rddreg [dreg:$0x2];
	[bflag:$0x3] =	sbarrier.arrive $0xFFFF;
	s2 =	simm.s32 @!p0 $0x1C04  }
0x103: {  	[timem:s3], [sflag:s2] =	dma.local @!p0 [hbm:s0], s1  }
0x104: {  	s0 =	simm.s32 @!p0 $0x4  }
0x105: {  	_ =	swait.ge @!p0 [sflag:s0], s1  }
0x106: {  	s1 =	ssub.s32 @!p0 $0x0, s1;
	[sflag:s0] =	ssyncset.done @!p0 $0x0  }
0x107: {  	[sflag:s0] =	ssyncadd.s32 @!p0 s1  }
0x108: {  	[bflag:$0x3] =	sbarrier.arrive $0xFFFF  }
0x109: {  	_ =	shalt  }

</sc_bundles>
